<compile_context>
chip_gen: v7x
topology: tpu7x:2x2x1
jax: 0.10.2.dev20260603
libtpu: 0.0.44.dev20260713+nightly
codegen_flags: <defaults>
</compile_context>

<pallas_src>
import functools

import jax
import jax.numpy as jnp
from jax import lax
from jax.experimental import pallas as pl
from jax.experimental.pallas import tpu as pltpu
from jax.experimental.pallas import tpu_sc as plsc

B = 16384
D = 32
ROWS = 1_000_000
CW = 32768
NBLK = (ROWS + CW - 1) // CW
BLKW = D * CW
NC, NS, L = 2, 16, 16
NW = NC * NS
BPW = B // NW


def _detile(Tt):

    def body(in_ref, o_ref):
        for d in range(D):
            o_ref[pl.ds(d * CW, CW)] = in_ref[d, :]

    return pl.pallas_call(
        body,
        grid=(NBLK,),
        in_specs=[pl.BlockSpec((D, CW), lambda k: (0, k))],
        out_specs=pl.BlockSpec((BLKW,), lambda k: (k,)),
        out_shape=jax.ShapeDtypeStruct((NBLK * BLKW,), jnp.float32),
    )(Tt)


def _sc_dots(u, i, j, Wl, Hl):
    mesh = plsc.VectorSubcoreMesh(core_axis_name="c", subcore_axis_name="s")

    @functools.partial(
        pl.kernel,
        out_type=jax.ShapeDtypeStruct((B,), jnp.float32),
        mesh=mesh,
        scratch_types=[
            pltpu.VMEM((BPW,), jnp.int32),
            pltpu.VMEM((BPW,), jnp.int32),
            pltpu.VMEM((BPW,), jnp.int32),
            pltpu.VMEM((D, BPW), jnp.int32),
            pltpu.VMEM((D, BPW), jnp.int32),
            pltpu.VMEM((D, BPW), jnp.int32),
            pltpu.VMEM((D, BPW), jnp.float32),
            pltpu.VMEM((D, BPW), jnp.float32),
            pltpu.VMEM((D, BPW), jnp.float32),
            pltpu.VMEM((BPW,), jnp.float32),
            pltpu.SemaphoreType.DMA,
        ],
        compiler_params=pltpu.CompilerParams(
            needs_layout_passes=False, use_tc_tiling_on_sc=False),
    )
    def k(u_hbm, i_hbm, j_hbm, W_hbm, H_hbm, out_hbm,
          idx_u, idx_i, idx_j, fidx_u, fidx_i, fidx_j,
          u_buf, i_buf, j_buf, x_out, sem):
        wid = lax.axis_index("s") * NC + lax.axis_index("c")
        base = pl.multiple_of(wid * BPW, BPW)

        pltpu.sync_copy(u_hbm.at[pl.ds(base, BPW)], idx_u)
        pltpu.sync_copy(i_hbm.at[pl.ds(base, BPW)], idx_i)
        pltpu.sync_copy(j_hbm.at[pl.ds(base, BPW)], idx_j)

        def fire(d, carry):
            def addr(g, carry2):
                gsl = pl.ds(g * L, L)
                for idx_r, fidx_r in ((idx_u, fidx_u), (idx_i, fidx_i),
                                      (idx_j, fidx_j)):
                    v = idx_r[gsl]
                    pre = lax.shift_left(lax.shift_right_logical(v, 15), 20) \
                        + jnp.bitwise_and(v, CW - 1)
                    fidx_r[d, gsl] = pre + d * CW
                return carry2

            lax.fori_loop(0, BPW // L, addr, 0)
            pltpu.async_copy(W_hbm.at[fidx_u.at[d]], u_buf.at[d], sem)
            pltpu.async_copy(H_hbm.at[fidx_i.at[d]], i_buf.at[d], sem)
            pltpu.async_copy(H_hbm.at[fidx_j.at[d]], j_buf.at[d], sem)
            return carry

        lax.fori_loop(0, D, fire, 0)

        def drain(d, carry):
            pltpu.make_async_copy(W_hbm.at[fidx_u.at[d]], u_buf.at[d], sem).wait()
            pltpu.make_async_copy(H_hbm.at[fidx_i.at[d]], i_buf.at[d], sem).wait()
            pltpu.make_async_copy(H_hbm.at[fidx_j.at[d]], j_buf.at[d], sem).wait()
            return carry

        lax.fori_loop(0, D, drain, 0)

        def body(g, carry):
            gsl = pl.ds(g * L, L)
            acc_ui = jnp.zeros((L,), jnp.float32)
            acc_uj = jnp.zeros((L,), jnp.float32)
            for d in range(D):
                uv = u_buf[d, gsl]
                iv = i_buf[d, gsl]
                jv = j_buf[d, gsl]
                acc_ui = acc_ui + uv * iv
                acc_uj = acc_uj + uv * jv
            x_out[gsl] = acc_ui - acc_uj
            return carry

        lax.fori_loop(0, BPW // L, body, 0)

        pltpu.sync_copy(x_out, out_hbm.at[pl.ds(base, BPW)])

    return k(u, i, j, Wl, Hl)


def _neg_logsig_sum(x):

    def body(x_ref, o_ref):
        v = x_ref[...]
        sp = jnp.maximum(-v, 0.0) + jnp.log(1.0 + jnp.exp(-jnp.abs(v)))
        o_ref[0, 0] = jnp.sum(sp)

    out = pl.pallas_call(
        body,
        out_shape=jax.ShapeDtypeStruct((1, 1), jnp.float32),
        out_specs=pl.BlockSpec(memory_space=pltpu.SMEM),
    )(x.reshape(128, 128))
    return out[0, 0]


def kernel(u, i, j, W, H):
    Wl = _detile(W.T)
    Hl = _detile(H.T)
    x = _sc_dots(u.astype(jnp.int32), i.astype(jnp.int32), j.astype(jnp.int32),
                 Wl, Hl)
    return _neg_logsig_sum(x)

# --- scband reference (transcript-rebuilt; emitter-appended) ---
"""Pipeline reference for scband-bpr-1056561954854 (READ-ONLY COPY).

The authoritative reference and input builder live on the scoring server;
editing this copy changes nothing except your own understanding.
"""

import jax, jax.numpy as jnp
import numpy as np

USER_SIZE = 1000000
ITEM_SIZE = 1000000
HIDDEN_DIM = 32
BATCH = 16384


def setup_inputs(seed: int = 0) -> dict:
    key = jax.random.key(seed)
    k_u, k_i, k_j, k_W, k_H = jax.random.split(key, 5)
    u = jax.random.randint(k_u, (BATCH,), 0, USER_SIZE, dtype=jnp.int64 if jax.config.jax_enable_x64 else jnp.int32)
    i = jax.random.randint(k_i, (BATCH,), 0, ITEM_SIZE, dtype=jnp.int64 if jax.config.jax_enable_x64 else jnp.int32)
    j = jax.random.randint(k_j, (BATCH,), 0, ITEM_SIZE, dtype=jnp.int64 if jax.config.jax_enable_x64 else jnp.int32)
    W = jax.random.uniform(k_W, (USER_SIZE, HIDDEN_DIM), dtype=jnp.float32, minval=0.0, maxval=1.0)
    H = jax.random.uniform(k_H, (ITEM_SIZE, HIDDEN_DIM), dtype=jnp.float32, minval=0.0, maxval=1.0)
    return {"u": u, "i": i, "j": j, "W": W, "H": H}


def reference(u, i, j, W, H):
    u_emb = jnp.take(W, u, axis=0)
    i_emb = jnp.take(H, i, axis=0)
    j_emb = jnp.take(H, j, axis=0)
    x_ui = jnp.sum(u_emb * i_emb, axis=1)
    x_uj = jnp.sum(u_emb * j_emb, axis=1)
    x_uij = x_ui - x_uj
    log_prob = jnp.sum(jax.nn.log_sigmoid(x_uij))
    return -log_prob

if __name__ == "__main__":
    import jax
    _d = setup_inputs()
    print(jax.jit(kernel)(*tuple(_d.values())))

</pallas_src>

<mosaic_0001>
#map = affine_map<(d0, d1) -> (0)>
module attributes {stable_mosaic.version = 14 : i64} {
  func.func @k(%arg0: i32, %arg1: i32, %arg2: memref<16384xi32, #tpu.memory_space<hbm>>, %arg3: memref<16384xi32, #tpu.memory_space<hbm>>, %arg4: memref<16384xi32, #tpu.memory_space<hbm>>, %arg5: memref<32505856xf32, #tpu.memory_space<hbm>>, %arg6: memref<32505856xf32, #tpu.memory_space<hbm>>, %arg7: memref<16384xf32, #tpu.memory_space<hbm>>, %arg8: memref<512xi32, #tpu.memory_space<vmem>>, %arg9: memref<512xi32, #tpu.memory_space<vmem>>, %arg10: memref<512xi32, #tpu.memory_space<vmem>>, %arg11: memref<32x512xi32, #tpu.memory_space<vmem>>, %arg12: memref<32x512xi32, #tpu.memory_space<vmem>>, %arg13: memref<32x512xi32, #tpu.memory_space<vmem>>, %arg14: memref<32x512xf32, #tpu.memory_space<vmem>>, %arg15: memref<32x512xf32, #tpu.memory_space<vmem>>, %arg16: memref<32x512xf32, #tpu.memory_space<vmem>>, %arg17: memref<512xf32, #tpu.memory_space<vmem>>, %arg18: memref<!tpu.dma_semaphore, #tpu.memory_space<semaphore_mem>>) attributes {dimension_semantics = [#tpu.dimension_semantics<core_parallel>, #tpu.dimension_semantics<subcore_parallel>], iteration_bounds = array<i64: 2, 16>, scalar_prefetch = 0 : i64, scratch_operands = 11 : i64, tpu.core_type = #tpu.core_type<sc_vector_subcore>, window_params = [{transform_indices = #map}, {transform_indices = #map}, {transform_indices = #map}, {transform_indices = #map}, {transform_indices = #map}, {transform_indices = #map}]} {
    %mul3A = arith.constant 2 : i32
    %mul3A_0 = arith.muli %arg1, %mul3A : i32
    %add3A = arith.addi %mul3A_0, %arg0 : i32
    %mul3A_1 = arith.constant 512 : i32
    %mul3A_2 = arith.muli %add3A, %mul3A_1 : i32
    %multiple_of3A = tpu.assume_multiple %mul3A_2, 512 : i32
    "tpu.region"() ({
      %run_scoped3A = tpu.sem_alloc : memref<!tpu.dma_semaphore, #tpu.memory_space<semaphore_mem>>
      %dma_start3A = tpu.memref_slice %arg2[%multiple_of3A] : memref<16384xi32, #tpu.memory_space<hbm>> -> memref<512xi32, #tpu.memory_space<hbm>>
      %dma_start3A_20 = tpu.memref_slice %arg2[%multiple_of3A] : memref<16384xi32, #tpu.memory_space<hbm>> -> memref<512xi32, #tpu.memory_space<hbm>>
      tpu.enqueue_dma source(%dma_start3A_20 : memref<512xi32, #tpu.memory_space<hbm>>) target(%arg8 : memref<512xi32, #tpu.memory_space<vmem>>) target_semaphore(%run_scoped3A : memref<!tpu.dma_semaphore, #tpu.memory_space<semaphore_mem>>)
      %dma_wait3A = tpu.memref_slice %arg2[%multiple_of3A] : memref<16384xi32, #tpu.memory_space<hbm>> -> memref<512xi32, #tpu.memory_space<hbm>>
      %dma_wait3A_21 = tpu.memref_slice %arg2[%multiple_of3A] : memref<16384xi32, #tpu.memory_space<hbm>> -> memref<512xi32, #tpu.memory_space<hbm>>
      tpu.wait_dma2 semaphore(%run_scoped3A : memref<!tpu.dma_semaphore, #tpu.memory_space<semaphore_mem>>) src(%dma_wait3A_21 : memref<512xi32, #tpu.memory_space<hbm>>) dst(%arg8 : memref<512xi32, #tpu.memory_space<vmem>>)
      tpu.yield
    }) : () -> ()
    "tpu.region"() ({
      %run_scoped3A = tpu.sem_alloc : memref<!tpu.dma_semaphore, #tpu.memory_space<semaphore_mem>>
      %dma_start3A = tpu.memref_slice %arg3[%multiple_of3A] : memref<16384xi32, #tpu.memory_space<hbm>> -> memref<512xi32, #tpu.memory_space<hbm>>
      %dma_start3A_20 = tpu.memref_slice %arg3[%multiple_of3A] : memref<16384xi32, #tpu.memory_space<hbm>> -> memref<512xi32, #tpu.memory_space<hbm>>
      tpu.enqueue_dma source(%dma_start3A_20 : memref<512xi32, #tpu.memory_space<hbm>>) target(%arg9 : memref<512xi32, #tpu.memory_space<vmem>>) target_semaphore(%run_scoped3A : memref<!tpu.dma_semaphore, #tpu.memory_space<semaphore_mem>>)
      %dma_wait3A = tpu.memref_slice %arg3[%multiple_of3A] : memref<16384xi32, #tpu.memory_space<hbm>> -> memref<512xi32, #tpu.memory_space<hbm>>
      %dma_wait3A_21 = tpu.memref_slice %arg3[%multiple_of3A] : memref<16384xi32, #tpu.memory_space<hbm>> -> memref<512xi32, #tpu.memory_space<hbm>>
      tpu.wait_dma2 semaphore(%run_scoped3A : memref<!tpu.dma_semaphore, #tpu.memory_space<semaphore_mem>>) src(%dma_wait3A_21 : memref<512xi32, #tpu.memory_space<hbm>>) dst(%arg9 : memref<512xi32, #tpu.memory_space<vmem>>)
      tpu.yield
    }) : () -> ()
    "tpu.region"() ({
      %run_scoped3A = tpu.sem_alloc : memref<!tpu.dma_semaphore, #tpu.memory_space<semaphore_mem>>
      %dma_start3A = tpu.memref_slice %arg4[%multiple_of3A] : memref<16384xi32, #tpu.memory_space<hbm>> -> memref<512xi32, #tpu.memory_space<hbm>>
      %dma_start3A_20 = tpu.memref_slice %arg4[%multiple_of3A] : memref<16384xi32, #tpu.memory_space<hbm>> -> memref<512xi32, #tpu.memory_space<hbm>>
      tpu.enqueue_dma source(%dma_start3A_20 : memref<512xi32, #tpu.memory_space<hbm>>) target(%arg10 : memref<512xi32, #tpu.memory_space<vmem>>) target_semaphore(%run_scoped3A : memref<!tpu.dma_semaphore, #tpu.memory_space<semaphore_mem>>)
      %dma_wait3A = tpu.memref_slice %arg4[%multiple_of3A] : memref<16384xi32, #tpu.memory_space<hbm>> -> memref<512xi32, #tpu.memory_space<hbm>>
      %dma_wait3A_21 = tpu.memref_slice %arg4[%multiple_of3A] : memref<16384xi32, #tpu.memory_space<hbm>> -> memref<512xi32, #tpu.memory_space<hbm>>
      tpu.wait_dma2 semaphore(%run_scoped3A : memref<!tpu.dma_semaphore, #tpu.memory_space<semaphore_mem>>) src(%dma_wait3A_21 : memref<512xi32, #tpu.memory_space<hbm>>) dst(%arg10 : memref<512xi32, #tpu.memory_space<vmem>>)
      tpu.yield
    }) : () -> ()
    %scan3A = arith.constant 0 : i32
    %scan3A_3 = arith.constant 0 : i32
    %scan3A_4 = arith.constant 32 : i32
    %scan3A_5 = arith.addi %scan3A_3, %scan3A_4 : i32
    %scan3A_6 = arith.constant 1 : i32
    scf.for %scan3A_20 = %scan3A_3 to %scan3A_5 step %scan3A_6  : i32 {
      %scan3A_21 = arith.constant 0 : i32
      %scan3A_22 = arith.constant 0 : i32
      %scan3A_23 = arith.constant 32 : i32
      %scan3A_24 = arith.addi %scan3A_22, %scan3A_23 : i32
      %scan3A_25 = arith.constant 1 : i32
      scf.for %scan3A_50 = %scan3A_22 to %scan3A_24 step %scan3A_25  : i32 {
        %mul3A_51 = arith.constant 16 : i32
        %mul3A_52 = arith.muli %scan3A_50, %mul3A_51 : i32
        %get3A = arith.index_cast %mul3A_52 : i32 to index
        %get3A_53 = tpu.vector_load %arg8[%get3A] {strides = array<i32>} : memref<512xi32, #tpu.memory_space<vmem>>, vector<16xi32>,
        %shift_right_logical3A = arith.constant 15 : i32
        %shift_right_logical3A_54 = vector.broadcast %shift_right_logical3A : i32 to vector<16xi32>
        %shift_right_logical3A_55 = arith.shrui %get3A_53, %shift_right_logical3A_54 : vector<16xi32>
        %shift_left3A = arith.constant 20 : i32
        %shift_left3A_56 = vector.broadcast %shift_left3A : i32 to vector<16xi32>
        %shift_left3A_57 = arith.shli %shift_right_logical3A_55, %shift_left3A_56 : vector<16xi32>
        %and3A = arith.constant 32767 : i32
        %and3A_58 = vector.broadcast %and3A : i32 to vector<16xi32>
        %and3A_59 = arith.andi %get3A_53, %and3A_58 : vector<16xi32>
        %add3A_60 = arith.addi %shift_left3A_57, %and3A_59 : vector<16xi32>
        %mul3A_61 = arith.constant 32768 : i32
        %mul3A_62 = arith.muli %scan3A_20, %mul3A_61 : i32
        %add3A_63 = vector.broadcast %mul3A_62 : i32 to vector<16xi32>
        %add3A_64 = arith.addi %add3A_60, %add3A_63 : vector<16xi32>
        %swap3A = arith.index_cast %scan3A_20 : i32 to index
        %swap3A_65 = arith.index_cast %mul3A_52 : i32 to index
        %swap3A_66 = tpu.vector_load %arg11[%swap3A, %swap3A_65] {strides = array<i32>} : memref<32x512xi32, #tpu.memory_space<vmem>>, vector<16xi32>,
        tpu.vector_store %arg11[%swap3A, %swap3A_65], %add3A_64 {strides = array<i32>} : memref<32x512xi32, #tpu.memory_space<vmem>>, vector<16xi32>,
        %get3A_67 = arith.index_cast %mul3A_52 : i32 to index
        %get3A_68 = tpu.vector_load %arg9[%get3A_67] {strides = array<i32>} : memref<512xi32, #tpu.memory_space<vmem>>, vector<16xi32>,
        %shift_right_logical3A_69 = arith.constant 15 : i32
        %shift_right_logical3A_70 = vector.broadcast %shift_right_logical3A_69 : i32 to vector<16xi32>
        %shift_right_logical3A_71 = arith.shrui %get3A_68, %shift_right_logical3A_70 : vector<16xi32>
        %shift_left3A_72 = arith.constant 20 : i32
        %shift_left3A_73 = vector.broadcast %shift_left3A_72 : i32 to vector<16xi32>
        %shift_left3A_74 = arith.shli %shift_right_logical3A_71, %shift_left3A_73 : vector<16xi32>
        %and3A_75 = arith.constant 32767 : i32
        %and3A_76 = vector.broadcast %and3A_75 : i32 to vector<16xi32>
        %and3A_77 = arith.andi %get3A_68, %and3A_76 : vector<16xi32>
        %add3A_78 = arith.addi %shift_left3A_74, %and3A_77 : vector<16xi32>
        %mul3A_79 = arith.constant 32768 : i32
        %mul3A_80 = arith.muli %scan3A_20, %mul3A_79 : i32
        %add3A_81 = vector.broadcast %mul3A_80 : i32 to vector<16xi32>
        %add3A_82 = arith.addi %add3A_78, %add3A_81 : vector<16xi32>
        %swap3A_83 = arith.index_cast %scan3A_20 : i32 to index
        %swap3A_84 = arith.index_cast %mul3A_52 : i32 to index
        %swap3A_85 = tpu.vector_load %arg12[%swap3A_83, %swap3A_84] {strides = array<i32>} : memref<32x512xi32, #tpu.memory_space<vmem>>, vector<16xi32>,
        tpu.vector_store %arg12[%swap3A_83, %swap3A_84], %add3A_82 {strides = array<i32>} : memref<32x512xi32, #tpu.memory_space<vmem>>, vector<16xi32>,
        %get3A_86 = arith.index_cast %mul3A_52 : i32 to index
        %get3A_87 = tpu.vector_load %arg10[%get3A_86] {strides = array<i32>} : memref<512xi32, #tpu.memory_space<vmem>>, vector<16xi32>,
        %shift_right_logical3A_88 = arith.constant 15 : i32
        %shift_right_logical3A_89 = vector.broadcast %shift_right_logical3A_88 : i32 to vector<16xi32>
        %shift_right_logical3A_90 = arith.shrui %get3A_87, %shift_right_logical3A_89 : vector<16xi32>
        %shift_left3A_91 = arith.constant 20 : i32
        %shift_left3A_92 = vector.broadcast %shift_left3A_91 : i32 to vector<16xi32>
        %shift_left3A_93 = arith.shli %shift_right_logical3A_90, %shift_left3A_92 : vector<16xi32>
        %and3A_94 = arith.constant 32767 : i32
        %and3A_95 = vector.broadcast %and3A_94 : i32 to vector<16xi32>
        %and3A_96 = arith.andi %get3A_87, %and3A_95 : vector<16xi32>
        %add3A_97 = arith.addi %shift_left3A_93, %and3A_96 : vector<16xi32>
        %mul3A_98 = arith.constant 32768 : i32
        %mul3A_99 = arith.muli %scan3A_20, %mul3A_98 : i32
        %add3A_100 = vector.broadcast %mul3A_99 : i32 to vector<16xi32>
        %add3A_101 = arith.addi %add3A_97, %add3A_100 : vector<16xi32>
        %swap3A_102 = arith.index_cast %scan3A_20 : i32 to index
        %swap3A_103 = arith.index_cast %mul3A_52 : i32 to index
        %swap3A_104 = tpu.vector_load %arg13[%swap3A_102, %swap3A_103] {strides = array<i32>} : memref<32x512xi32, #tpu.memory_space<vmem>>, vector<16xi32>,
        tpu.vector_store %arg13[%swap3A_102, %swap3A_103], %add3A_101 {strides = array<i32>} : memref<32x512xi32, #tpu.memory_space<vmem>>, vector<16xi32>,
      }
      %scan3A_26 = arith.constant 32 : i32
      %dma_start3A = arith.constant 0 : i32
      %dma_start3A_27 = tpu.memref_slice %arg14[%scan3A_20, %dma_start3A] : memref<32x512xf32, #tpu.memory_space<vmem>> -> memref<1x512xf32, #tpu.memory_space<vmem>>
      %dma_start3A_28 = tpu.memref_squeeze %dma_start3A_27 : memref<1x512xf32, #tpu.memory_space<vmem>> -> memref<512xf32, #tpu.memory_space<vmem>>
      %dma_start3A_29 = arith.constant 0 : i32
      %dma_start3A_30 = tpu.memref_slice %arg11[%scan3A_20, %dma_start3A_29] : memref<32x512xi32, #tpu.memory_space<vmem>> -> memref<1x512xi32, #tpu.memory_space<vmem>>
      %dma_start3A_31 = tpu.memref_squeeze %dma_start3A_30 : memref<1x512xi32, #tpu.memory_space<vmem>> -> memref<512xi32, #tpu.memory_space<vmem>>
      %dma_start3A_32 = arith.constant 0 : i32
      %dma_start3A_33 = tpu.memref_slice %arg5[%dma_start3A_32] : memref<32505856xf32, #tpu.memory_space<hbm>> -> memref<32505856xf32, #tpu.memory_space<hbm>>
      tpu.enqueue_indirect_dma source(%dma_start3A_33 : memref<32505856xf32, #tpu.memory_space<hbm>>) target(%dma_start3A_28 : memref<512xf32, #tpu.memory_space<vmem>>) offsets(%dma_start3A_31 : memref<512xi32, #tpu.memory_space<vmem>>) semaphore(%arg18 : memref<!tpu.dma_semaphore, #tpu.memory_space<semaphore_mem>>)
      %dma_start3A_34 = arith.constant 0 : i32
      %dma_start3A_35 = tpu.memref_slice %arg15[%scan3A_20, %dma_start3A_34] : memref<32x512xf32, #tpu.memory_space<vmem>> -> memref<1x512xf32, #tpu.memory_space<vmem>>
      %dma_start3A_36 = tpu.memref_squeeze %dma_start3A_35 : memref<1x512xf32, #tpu.memory_space<vmem>> -> memref<512xf32, #tpu.memory_space<vmem>>
      %dma_start3A_37 = arith.constant 0 : i32
      %dma_start3A_38 = tpu.memref_slice %arg12[%scan3A_20, %dma_start3A_37] : memref<32x512xi32, #tpu.memory_space<vmem>> -> memref<1x512xi32, #tpu.memory_space<vmem>>
      %dma_start3A_39 = tpu.memref_squeeze %dma_start3A_38 : memref<1x512xi32, #tpu.memory_space<vmem>> -> memref<512xi32, #tpu.memory_space<vmem>>
      %dma_start3A_40 = arith.constant 0 : i32
      %dma_start3A_41 = tpu.memref_slice %arg6[%dma_start3A_40] : memref<32505856xf32, #tpu.memory_space<hbm>> -> memref<32505856xf32, #tpu.memory_space<hbm>>
      tpu.enqueue_indirect_dma source(%dma_start3A_41 : memref<32505856xf32, #tpu.memory_space<hbm>>) target(%dma_start3A_36 : memref<512xf32, #tpu.memory_space<vmem>>) offsets(%dma_start3A_39 : memref<512xi32, #tpu.memory_space<vmem>>) semaphore(%arg18 : memref<!tpu.dma_semaphore, #tpu.memory_space<semaphore_mem>>)
      %dma_start3A_42 = arith.constant 0 : i32
      %dma_start3A_43 = tpu.memref_slice %arg16[%scan3A_20, %dma_start3A_42] : memref<32x512xf32, #tpu.memory_space<vmem>> -> memref<1x512xf32, #tpu.memory_space<vmem>>
      %dma_start3A_44 = tpu.memref_squeeze %dma_start3A_43 : memref<1x512xf32, #tpu.memory_space<vmem>> -> memref<512xf32, #tpu.memory_space<vmem>>
      %dma_start3A_45 = arith.constant 0 : i32
      %dma_start3A_46 = tpu.memref_slice %arg13[%scan3A_20, %dma_start3A_45] : memref<32x512xi32, #tpu.memory_space<vmem>> -> memref<1x512xi32, #tpu.memory_space<vmem>>
      %dma_start3A_47 = tpu.memref_squeeze %dma_start3A_46 : memref<1x512xi32, #tpu.memory_space<vmem>> -> memref<512xi32, #tpu.memory_space<vmem>>
      %dma_start3A_48 = arith.constant 0 : i32
      %dma_start3A_49 = tpu.memref_slice %arg6[%dma_start3A_48] : memref<32505856xf32, #tpu.memory_space<hbm>> -> memref<32505856xf32, #tpu.memory_space<hbm>>
      tpu.enqueue_indirect_dma source(%dma_start3A_49 : memref<32505856xf32, #tpu.memory_space<hbm>>) target(%dma_start3A_44 : memref<512xf32, #tpu.memory_space<vmem>>) offsets(%dma_start3A_47 : memref<512xi32, #tpu.memory_space<vmem>>) semaphore(%arg18 : memref<!tpu.dma_semaphore, #tpu.memory_space<semaphore_mem>>)
    }
    %scan3A_7 = arith.constant 32 : i32
    %scan3A_8 = arith.constant 0 : i32
    %scan3A_9 = arith.constant 0 : i32
    %scan3A_10 = arith.constant 32 : i32
    %scan3A_11 = arith.addi %scan3A_9, %scan3A_10 : i32
    %scan3A_12 = arith.constant 1 : i32
    scf.for %scan3A_20 = %scan3A_9 to %scan3A_11 step %scan3A_12  : i32 {
      %dma_wait3A = arith.constant 0 : i32
      %dma_wait3A_21 = tpu.memref_slice %arg14[%scan3A_20, %dma_wait3A] : memref<32x512xf32, #tpu.memory_space<vmem>> -> memref<1x512xf32, #tpu.memory_space<vmem>>
      %dma_wait3A_22 = tpu.memref_squeeze %dma_wait3A_21 : memref<1x512xf32, #tpu.memory_space<vmem>> -> memref<512xf32, #tpu.memory_space<vmem>>
      %dma_wait3A_23 = arith.constant 0 : i32
      %dma_wait3A_24 = tpu.memref_slice %arg11[%scan3A_20, %dma_wait3A_23] : memref<32x512xi32, #tpu.memory_space<vmem>> -> memref<1x512xi32, #tpu.memory_space<vmem>>
      %dma_wait3A_25 = tpu.memref_squeeze %dma_wait3A_24 : memref<1x512xi32, #tpu.memory_space<vmem>> -> memref<512xi32, #tpu.memory_space<vmem>>
      %dma_wait3A_26 = arith.constant 0 : i32
      %dma_wait3A_27 = tpu.memref_slice %arg5[%dma_wait3A_26] : memref<32505856xf32, #tpu.memory_space<hbm>> -> memref<32505856xf32, #tpu.memory_space<hbm>>
      tpu.wait_indirect_dma semaphore(%arg18 : memref<!tpu.dma_semaphore, #tpu.memory_space<semaphore_mem>>) src(%dma_wait3A_27 : memref<32505856xf32, #tpu.memory_space<hbm>>) dst(%dma_wait3A_22 : memref<512xf32, #tpu.memory_space<vmem>>)
      %dma_wait3A_28 = arith.constant 0 : i32
      %dma_wait3A_29 = tpu.memref_slice %arg15[%scan3A_20, %dma_wait3A_28] : memref<32x512xf32, #tpu.memory_space<vmem>> -> memref<1x512xf32, #tpu.memory_space<vmem>>
      %dma_wait3A_30 = tpu.memref_squeeze %dma_wait3A_29 : memref<1x512xf32, #tpu.memory_space<vmem>> -> memref<512xf32, #tpu.memory_space<vmem>>
      %dma_wait3A_31 = arith.constant 0 : i32
      %dma_wait3A_32 = tpu.memref_slice %arg12[%scan3A_20, %dma_wait3A_31] : memref<32x512xi32, #tpu.memory_space<vmem>> -> memref<1x512xi32, #tpu.memory_space<vmem>>
      %dma_wait3A_33 = tpu.memref_squeeze %dma_wait3A_32 : memref<1x512xi32, #tpu.memory_space<vmem>> -> memref<512xi32, #tpu.memory_space<vmem>>
      %dma_wait3A_34 = arith.constant 0 : i32
      %dma_wait3A_35 = tpu.memref_slice %arg6[%dma_wait3A_34] : memref<32505856xf32, #tpu.memory_space<hbm>> -> memref<32505856xf32, #tpu.memory_space<hbm>>
      tpu.wait_indirect_dma semaphore(%arg18 : memref<!tpu.dma_semaphore, #tpu.memory_space<semaphore_mem>>) src(%dma_wait3A_35 : memref<32505856xf32, #tpu.memory_space<hbm>>) dst(%dma_wait3A_30 : memref<512xf32, #tpu.memory_space<vmem>>)
      %dma_wait3A_36 = arith.constant 0 : i32
      %dma_wait3A_37 = tpu.memref_slice %arg16[%scan3A_20, %dma_wait3A_36] : memref<32x512xf32, #tpu.memory_space<vmem>> -> memref<1x512xf32, #tpu.memory_space<vmem>>
      %dma_wait3A_38 = tpu.memref_squeeze %dma_wait3A_37 : memref<1x512xf32, #tpu.memory_space<vmem>> -> memref<512xf32, #tpu.memory_space<vmem>>
      %dma_wait3A_39 = arith.constant 0 : i32
      %dma_wait3A_40 = tpu.memref_slice %arg13[%scan3A_20, %dma_wait3A_39] : memref<32x512xi32, #tpu.memory_space<vmem>> -> memref<1x512xi32, #tpu.memory_space<vmem>>
      %dma_wait3A_41 = tpu.memref_squeeze %dma_wait3A_40 : memref<1x512xi32, #tpu.memory_space<vmem>> -> memref<512xi32, #tpu.memory_space<vmem>>
      %dma_wait3A_42 = arith.constant 0 : i32
      %dma_wait3A_43 = tpu.memref_slice %arg6[%dma_wait3A_42] : memref<32505856xf32, #tpu.memory_space<hbm>> -> memref<32505856xf32, #tpu.memory_space<hbm>>
      tpu.wait_indirect_dma semaphore(%arg18 : memref<!tpu.dma_semaphore, #tpu.memory_space<semaphore_mem>>) src(%dma_wait3A_43 : memref<32505856xf32, #tpu.memory_space<hbm>>) dst(%dma_wait3A_38 : memref<512xf32, #tpu.memory_space<vmem>>)
    }
    %scan3A_13 = arith.constant 32 : i32
    %scan3A_14 = arith.constant 0 : i32
    %scan3A_15 = arith.constant 0 : i32
    %scan3A_16 = arith.constant 32 : i32
    %scan3A_17 = arith.addi %scan3A_15, %scan3A_16 : i32
    %scan3A_18 = arith.constant 1 : i32
    scf.for %scan3A_20 = %scan3A_15 to %scan3A_17 step %scan3A_18  : i32 {
      %mul3A_21 = arith.constant 16 : i32
      %mul3A_22 = arith.muli %scan3A_20, %mul3A_21 : i32
      %broadcast_in_dim3A = arith.constant 0.000000e+00 : f32
      %broadcast_in_dim3A_23 = vector.broadcast %broadcast_in_dim3A : f32 to vector<16xf32>
      %broadcast_in_dim3A_24 = arith.constant 0.000000e+00 : f32
      %broadcast_in_dim3A_25 = vector.broadcast %broadcast_in_dim3A_24 : f32 to vector<16xf32>
      %get3A = arith.constant 0 : i32
      %get3A_26 = arith.index_cast %get3A : i32 to index
      %get3A_27 = arith.index_cast %mul3A_22 : i32 to index
      %get3A_28 = tpu.vector_load %arg14[%get3A_26, %get3A_27] {strides = array<i32>} : memref<32x512xf32, #tpu.memory_space<vmem>>, vector<16xf32>,
      %get3A_29 = arith.constant 0 : i32
      %get3A_30 = arith.index_cast %get3A_29 : i32 to index
      %get3A_31 = arith.index_cast %mul3A_22 : i32 to index
      %get3A_32 = tpu.vector_load %arg15[%get3A_30, %get3A_31] {strides = array<i32>} : memref<32x512xf32, #tpu.memory_space<vmem>>, vector<16xf32>,
      %get3A_33 = arith.constant 0 : i32
      %get3A_34 = arith.index_cast %get3A_33 : i32 to index
      %get3A_35 = arith.index_cast %mul3A_22 : i32 to index
      %get3A_36 = tpu.vector_load %arg16[%get3A_34, %get3A_35] {strides = array<i32>} : memref<32x512xf32, #tpu.memory_space<vmem>>, vector<16xf32>,
      %mul3A_37 = arith.mulf %get3A_28, %get3A_32 : vector<16xf32>
      %add3A_38 = arith.addf %broadcast_in_dim3A_23, %mul3A_37 : vector<16xf32>
      %mul3A_39 = arith.mulf %get3A_28, %get3A_36 : vector<16xf32>
      %add3A_40 = arith.addf %broadcast_in_dim3A_25, %mul3A_39 : vector<16xf32>
      %get3A_41 = arith.constant 1 : i32
      %get3A_42 = arith.index_cast %get3A_41 : i32 to index
      %get3A_43 = arith.index_cast %mul3A_22 : i32 to index
      %get3A_44 = tpu.vector_load %arg14[%get3A_42, %get3A_43] {strides = array<i32>} : memref<32x512xf32, #tpu.memory_space<vmem>>, vector<16xf32>,
      %get3A_45 = arith.constant 1 : i32
      %get3A_46 = arith.index_cast %get3A_45 : i32 to index
      %get3A_47 = arith.index_cast %mul3A_22 : i32 to index
      %get3A_48 = tpu.vector_load %arg15[%get3A_46, %get3A_47] {strides = array<i32>} : memref<32x512xf32, #tpu.memory_space<vmem>>, vector<16xf32>,
      %get3A_49 = arith.constant 1 : i32
      %get3A_50 = arith.index_cast %get3A_49 : i32 to index
      %get3A_51 = arith.index_cast %mul3A_22 : i32 to index
      %get3A_52 = tpu.vector_load %arg16[%get3A_50, %get3A_51] {strides = array<i32>} : memref<32x512xf32, #tpu.memory_space<vmem>>, vector<16xf32>,
      %mul3A_53 = arith.mulf %get3A_44, %get3A_48 : vector<16xf32>
      %add3A_54 = arith.addf %add3A_38, %mul3A_53 : vector<16xf32>
      %mul3A_55 = arith.mulf %get3A_44, %get3A_52 : vector<16xf32>
      %add3A_56 = arith.addf %add3A_40, %mul3A_55 : vector<16xf32>
      %get3A_57 = arith.constant 2 : i32
      %get3A_58 = arith.index_cast %get3A_57 : i32 to index
      %get3A_59 = arith.index_cast %mul3A_22 : i32 to index
      %get3A_60 = tpu.vector_load %arg14[%get3A_58, %get3A_59] {strides = array<i32>} : memref<32x512xf32, #tpu.memory_space<vmem>>, vector<16xf32>,
      %get3A_61 = arith.constant 2 : i32
      %get3A_62 = arith.index_cast %get3A_61 : i32 to index
      %get3A_63 = arith.index_cast %mul3A_22 : i32 to index
      %get3A_64 = tpu.vector_load %arg15[%get3A_62, %get3A_63] {strides = array<i32>} : memref<32x512xf32, #tpu.memory_space<vmem>>, vector<16xf32>,
      %get3A_65 = arith.constant 2 : i32
      %get3A_66 = arith.index_cast %get3A_65 : i32 to index
      %get3A_67 = arith.index_cast %mul3A_22 : i32 to index
      %get3A_68 = tpu.vector_load %arg16[%get3A_66, %get3A_67] {strides = array<i32>} : memref<32x512xf32, #tpu.memory_space<vmem>>, vector<16xf32>,
      %mul3A_69 = arith.mulf %get3A_60, %get3A_64 : vector<16xf32>
      %add3A_70 = arith.addf %add3A_54, %mul3A_69 : vector<16xf32>
      %mul3A_71 = arith.mulf %get3A_60, %get3A_68 : vector<16xf32>
      %add3A_72 = arith.addf %add3A_56, %mul3A_71 : vector<16xf32>
      %get3A_73 = arith.constant 3 : i32
      %get3A_74 = arith.index_cast %get3A_73 : i32 to index
      %get3A_75 = arith.index_cast %mul3A_22 : i32 to index
      %get3A_76 = tpu.vector_load %arg14[%get3A_74, %get3A_75] {strides = array<i32>} : memref<32x512xf32, #tpu.memory_space<vmem>>, vector<16xf32>,
      %get3A_77 = arith.constant 3 : i32
      %get3A_78 = arith.index_cast %get3A_77 : i32 to index
      %get3A_79 = arith.index_cast %mul3A_22 : i32 to index
      %get3A_80 = tpu.vector_load %arg15[%get3A_78, %get3A_79] {strides = array<i32>} : memref<32x512xf32, #tpu.memory_space<vmem>>, vector<16xf32>,
      %get3A_81 = arith.constant 3 : i32
      %get3A_82 = arith.index_cast %get3A_81 : i32 to index
      %get3A_83 = arith.index_cast %mul3A_22 : i32 to index
      %get3A_84 = tpu.vector_load %arg16[%get3A_82, %get3A_83] {strides = array<i32>} : memref<32x512xf32, #tpu.memory_space<vmem>>, vector<16xf32>,
      %mul3A_85 = arith.mulf %get3A_76, %get3A_80 : vector<16xf32>
      %add3A_86 = arith.addf %add3A_70, %mul3A_85 : vector<16xf32>
      %mul3A_87 = arith.mulf %get3A_76, %get3A_84 : vector<16xf32>
      %add3A_88 = arith.addf %add3A_72, %mul3A_87 : vector<16xf32>
      %get3A_89 = arith.constant 4 : i32
      %get3A_90 = arith.index_cast %get3A_89 : i32 to index
      %get3A_91 = arith.index_cast %mul3A_22 : i32 to index
      %get3A_92 = tpu.vector_load %arg14[%get3A_90, %get3A_91] {strides = array<i32>} : memref<32x512xf32, #tpu.memory_space<vmem>>, vector<16xf32>,
      %get3A_93 = arith.constant 4 : i32
      %get3A_94 = arith.index_cast %get3A_93 : i32 to index
      %get3A_95 = arith.index_cast %mul3A_22 : i32 to index
      %get3A_96 = tpu.vector_load %arg15[%get3A_94, %get3A_95] {strides = array<i32>} : memref<32x512xf32, #tpu.memory_space<vmem>>, vector<16xf32>,
      %get3A_97 = arith.constant 4 : i32
      %get3A_98 = arith.index_cast %get3A_97 : i32 to index
      %get3A_99 = arith.index_cast %mul3A_22 : i32 to index
      %get3A_100 = tpu.vector_load %arg16[%get3A_98, %get3A_99] {strides = array<i32>} : memref<32x512xf32, #tpu.memory_space<vmem>>, vector<16xf32>,
      %mul3A_101 = arith.mulf %get3A_92, %get3A_96 : vector<16xf32>
      %add3A_102 = arith.addf %add3A_86, %mul3A_101 : vector<16xf32>
      %mul3A_103 = arith.mulf %get3A_92, %get3A_100 : vector<16xf32>
      %add3A_104 = arith.addf %add3A_88, %mul3A_103 : vector<16xf32>
      %get3A_105 = arith.constant 5 : i32
      %get3A_106 = arith.index_cast %get3A_105 : i32 to index
      %get3A_107 = arith.index_cast %mul3A_22 : i32 to index
      %get3A_108 = tpu.vector_load %arg14[%get3A_106, %get3A_107] {strides = array<i32>} : memref<32x512xf32, #tpu.memory_space<vmem>>, vector<16xf32>,
      %get3A_109 = arith.constant 5 : i32
      %get3A_110 = arith.index_cast %get3A_109 : i32 to index
      %get3A_111 = arith.index_cast %mul3A_22 : i32 to index
      %get3A_112 = tpu.vector_load %arg15[%get3A_110, %get3A_111] {strides = array<i32>} : memref<32x512xf32, #tpu.memory_space<vmem>>, vector<16xf32>,
      %get3A_113 = arith.constant 5 : i32
      %get3A_114 = arith.index_cast %get3A_113 : i32 to index
      %get3A_115 = arith.index_cast %mul3A_22 : i32 to index
      %get3A_116 = tpu.vector_load %arg16[%get3A_114, %get3A_115] {strides = array<i32>} : memref<32x512xf32, #tpu.memory_space<vmem>>, vector<16xf32>,
      %mul3A_117 = arith.mulf %get3A_108, %get3A_112 : vector<16xf32>
      %add3A_118 = arith.addf %add3A_102, %mul3A_117 : vector<16xf32>
      %mul3A_119 = arith.mulf %get3A_108, %get3A_116 : vector<16xf32>
      %add3A_120 = arith.addf %add3A_104, %mul3A_119 : vector<16xf32>
      %get3A_121 = arith.constant 6 : i32
      %get3A_122 = arith.index_cast %get3A_121 : i32 to index
      %get3A_123 = arith.index_cast %mul3A_22 : i32 to index
      %get3A_124 = tpu.vector_load %arg14[%get3A_122, %get3A_123] {strides = array<i32>} : memref<32x512xf32, #tpu.memory_space<vmem>>, vector<16xf32>,
      %get3A_125 = arith.constant 6 : i32
      %get3A_126 = arith.index_cast %get3A_125 : i32 to index
      %get3A_127 = arith.index_cast %mul3A_22 : i32 to index
      %get3A_128 = tpu.vector_load %arg15[%get3A_126, %get3A_127] {strides = array<i32>} : memref<32x512xf32, #tpu.memory_space<vmem>>, vector<16xf32>,
      %get3A_129 = arith.constant 6 : i32
      %get3A_130 = arith.index_cast %get3A_129 : i32 to index
      %get3A_131 = arith.index_cast %mul3A_22 : i32 to index
      %get3A_132 = tpu.vector_load %arg16[%get3A_130, %get3A_131] {strides = array<i32>} : memref<32x512xf32, #tpu.memory_space<vmem>>, vector<16xf32>,
      %mul3A_133 = arith.mulf %get3A_124, %get3A_128 : vector<16xf32>
      %add3A_134 = arith.addf %add3A_118, %mul3A_133 : vector<16xf32>
      %mul3A_135 = arith.mulf %get3A_124, %get3A_132 : vector<16xf32>
      %add3A_136 = arith.addf %add3A_120, %mul3A_135 : vector<16xf32>
      %get3A_137 = arith.constant 7 : i32
      %get3A_138 = arith.index_cast %get3A_137 : i32 to index
      %get3A_139 = arith.index_cast %mul3A_22 : i32 to index
      %get3A_140 = tpu.vector_load %arg14[%get3A_138, %get3A_139] {strides = array<i32>} : memref<32x512xf32, #tpu.memory_space<vmem>>, vector<16xf32>,
      %get3A_141 = arith.constant 7 : i32
      %get3A_142 = arith.index_cast %get3A_141 : i32 to index
      %get3A_143 = arith.index_cast %mul3A_22 : i32 to index
      %get3A_144 = tpu.vector_load %arg15[%get3A_142, %get3A_143] {strides = array<i32>} : memref<32x512xf32, #tpu.memory_space<vmem>>, vector<16xf32>,
      %get3A_145 = arith.constant 7 : i32
      %get3A_146 = arith.index_cast %get3A_145 : i32 to index
      %get3A_147 = arith.index_cast %mul3A_22 : i32 to index
      %get3A_148 = tpu.vector_load %arg16[%get3A_146, %get3A_147] {strides = array<i32>} : memref<32x512xf32, #tpu.memory_space<vmem>>, vector<16xf32>,
      %mul3A_149 = arith.mulf %get3A_140, %get3A_144 : vector<16xf32>
      %add3A_150 = arith.addf %add3A_134, %mul3A_149 : vector<16xf32>
      %mul3A_151 = arith.mulf %get3A_140, %get3A_148 : vector<16xf32>
      %add3A_152 = arith.addf %add3A_136, %mul3A_151 : vector<16xf32>
      %get3A_153 = arith.constant 8 : i32
      %get3A_154 = arith.index_cast %get3A_153 : i32 to index
      %get3A_155 = arith.index_cast %mul3A_22 : i32 to index
      %get3A_156 = tpu.vector_load %arg14[%get3A_154, %get3A_155] {strides = array<i32>} : memref<32x512xf32, #tpu.memory_space<vmem>>, vector<16xf32>,
      %get3A_157 = arith.constant 8 : i32
      %get3A_158 = arith.index_cast %get3A_157 : i32 to index
      %get3A_159 = arith.index_cast %mul3A_22 : i32 to index
      %get3A_160 = tpu.vector_load %arg15[%get3A_158, %get3A_159] {strides = array<i32>} : memref<32x512xf32, #tpu.memory_space<vmem>>, vector<16xf32>,
      %get3A_161 = arith.constant 8 : i32
      %get3A_162 = arith.index_cast %get3A_161 : i32 to index
      %get3A_163 = arith.index_cast %mul3A_22 : i32 to index
      %get3A_164 = tpu.vector_load %arg16[%get3A_162, %get3A_163] {strides = array<i32>} : memref<32x512xf32, #tpu.memory_space<vmem>>, vector<16xf32>,
      %mul3A_165 = arith.mulf %get3A_156, %get3A_160 : vector<16xf32>
      %add3A_166 = arith.addf %add3A_150, %mul3A_165 : vector<16xf32>
      %mul3A_167 = arith.mulf %get3A_156, %get3A_164 : vector<16xf32>
      %add3A_168 = arith.addf %add3A_152, %mul3A_167 : vector<16xf32>
      %get3A_169 = arith.constant 9 : i32
      %get3A_170 = arith.index_cast %get3A_169 : i32 to index
      %get3A_171 = arith.index_cast %mul3A_22 : i32 to index
      %get3A_172 = tpu.vector_load %arg14[%get3A_170, %get3A_171] {strides = array<i32>} : memref<32x512xf32, #tpu.memory_space<vmem>>, vector<16xf32>,
      %get3A_173 = arith.constant 9 : i32
      %get3A_174 = arith.index_cast %get3A_173 : i32 to index
      %get3A_175 = arith.index_cast %mul3A_22 : i32 to index
      %get3A_176 = tpu.vector_load %arg15[%get3A_174, %get3A_175] {strides = array<i32>} : memref<32x512xf32, #tpu.memory_space<vmem>>, vector<16xf32>,
      %get3A_177 = arith.constant 9 : i32
      %get3A_178 = arith.index_cast %get3A_177 : i32 to index
      %get3A_179 = arith.index_cast %mul3A_22 : i32 to index
      %get3A_180 = tpu.vector_load %arg16[%get3A_178, %get3A_179] {strides = array<i32>} : memref<32x512xf32, #tpu.memory_space<vmem>>, vector<16xf32>,
      %mul3A_181 = arith.mulf %get3A_172, %get3A_176 : vector<16xf32>
      %add3A_182 = arith.addf %add3A_166, %mul3A_181 : vector<16xf32>
      %mul3A_183 = arith.mulf %get3A_172, %get3A_180 : vector<16xf32>
      %add3A_184 = arith.addf %add3A_168, %mul3A_183 : vector<16xf32>
      %get3A_185 = arith.constant 10 : i32
      %get3A_186 = arith.index_cast %get3A_185 : i32 to index
      %get3A_187 = arith.index_cast %mul3A_22 : i32 to index
      %get3A_188 = tpu.vector_load %arg14[%get3A_186, %get3A_187] {strides = array<i32>} : memref<32x512xf32, #tpu.memory_space<vmem>>, vector<16xf32>,
      %get3A_189 = arith.constant 10 : i32
      %get3A_190 = arith.index_cast %get3A_189 : i32 to index
      %get3A_191 = arith.index_cast %mul3A_22 : i32 to index
      %get3A_192 = tpu.vector_load %arg15[%get3A_190, %get3A_191] {strides = array<i32>} : memref<32x512xf32, #tpu.memory_space<vmem>>, vector<16xf32>,
      %get3A_193 = arith.constant 10 : i32
      %get3A_194 = arith.index_cast %get3A_193 : i32 to index
      %get3A_195 = arith.index_cast %mul3A_22 : i32 to index
      %get3A_196 = tpu.vector_load %arg16[%get3A_194, %get3A_195] {strides = array<i32>} : memref<32x512xf32, #tpu.memory_space<vmem>>, vector<16xf32>,
      %mul3A_197 = arith.mulf %get3A_188, %get3A_192 : vector<16xf32>
      %add3A_198 = arith.addf %add3A_182, %mul3A_197 : vector<16xf32>
      %mul3A_199 = arith.mulf %get3A_188, %get3A_196 : vector<16xf32>
      %add3A_200 = arith.addf %add3A_184, %mul3A_199 : vector<16xf32>
      %get3A_201 = arith.constant 11 : i32
      %get3A_202 = arith.index_cast %get3A_201 : i32 to index
      %get3A_203 = arith.index_cast %mul3A_22 : i32 to index
      %get3A_204 = tpu.vector_load %arg14[%get3A_202, %get3A_203] {strides = array<i32>} : memref<32x512xf32, #tpu.memory_space<vmem>>, vector<16xf32>,
      %get3A_205 = arith.constant 11 : i32
      %get3A_206 = arith.index_cast %get3A_205 : i32 to index
      %get3A_207 = arith.index_cast %mul3A_22 : i32 to index
      %get3A_208 = tpu.vector_load %arg15[%get3A_206, %get3A_207] {strides = array<i32>} : memref<32x512xf32, #tpu.memory_space<vmem>>, vector<16xf32>,
      %get3A_209 = arith.constant 11 : i32
      %get3A_210 = arith.index_cast %get3A_209 : i32 to index
      %get3A_211 = arith.index_cast %mul3A_22 : i32 to index
      %get3A_212 = tpu.vector_load %arg16[%get3A_210, %get3A_211] {strides = array<i32>} : memref<32x512xf32, #tpu.memory_space<vmem>>, vector<16xf32>,
      %mul3A_213 = arith.mulf %get3A_204, %get3A_208 : vector<16xf32>
      %add3A_214 = arith.addf %add3A_198, %mul3A_213 : vector<16xf32>
      %mul3A_215 = arith.mulf %get3A_204, %get3A_212 : vector<16xf32>
      %add3A_216 = arith.addf %add3A_200, %mul3A_215 : vector<16xf32>
      %get3A_217 = arith.constant 12 : i32
      %get3A_218 = arith.index_cast %get3A_217 : i32 to index
      %get3A_219 = arith.index_cast %mul3A_22 : i32 to index
      %get3A_220 = tpu.vector_load %arg14[%get3A_218, %get3A_219] {strides = array<i32>} : memref<32x512xf32, #tpu.memory_space<vmem>>, vector<16xf32>,
      %get3A_221 = arith.constant 12 : i32
      %get3A_222 = arith.index_cast %get3A_221 : i32 to index
      %get3A_223 = arith.index_cast %mul3A_22 : i32 to index
      %get3A_224 = tpu.vector_load %arg15[%get3A_222, %get3A_223] {strides = array<i32>} : memref<32x512xf32, #tpu.memory_space<vmem>>, vector<16xf32>,
      %get3A_225 = arith.constant 12 : i32
      %get3A_226 = arith.index_cast %get3A_225 : i32 to index
      %get3A_227 = arith.index_cast %mul3A_22 : i32 to index
      %get3A_228 = tpu.vector_load %arg16[%get3A_226, %get3A_227] {strides = array<i32>} : memref<32x512xf32, #tpu.memory_space<vmem>>, vector<16xf32>,
      %mul3A_229 = arith.mulf %get3A_220, %get3A_224 : vector<16xf32>
      %add3A_230 = arith.addf %add3A_214, %mul3A_229 : vector<16xf32>
      %mul3A_231 = arith.mulf %get3A_220, %get3A_228 : vector<16xf32>
      %add3A_232 = arith.addf %add3A_216, %mul3A_231 : vector<16xf32>
      %get3A_233 = arith.constant 13 : i32
      %get3A_234 = arith.index_cast %get3A_233 : i32 to index
      %get3A_235 = arith.index_cast %mul3A_22 : i32 to index
      %get3A_236 = tpu.vector_load %arg14[%get3A_234, %get3A_235] {strides = array<i32>} : memref<32x512xf32, #tpu.memory_space<vmem>>, vector<16xf32>,
      %get3A_237 = arith.constant 13 : i32
      %get3A_238 = arith.index_cast %get3A_237 : i32 to index
      %get3A_239 = arith.index_cast %mul3A_22 : i32 to index
      %get3A_240 = tpu.vector_load %arg15[%get3A_238, %get3A_239] {strides = array<i32>} : memref<32x512xf32, #tpu.memory_space<vmem>>, vector<16xf32>,
      %get3A_241 = arith.constant 13 : i32
      %get3A_242 = arith.index_cast %get3A_241 : i32 to index
      %get3A_243 = arith.index_cast %mul3A_22 : i32 to index
      %get3A_244 = tpu.vector_load %arg16[%get3A_242, %get3A_243] {strides = array<i32>} : memref<32x512xf32, #tpu.memory_space<vmem>>, vector<16xf32>,
      %mul3A_245 = arith.mulf %get3A_236, %get3A_240 : vector<16xf32>
      %add3A_246 = arith.addf %add3A_230, %mul3A_245 : vector<16xf32>
      %mul3A_247 = arith.mulf %get3A_236, %get3A_244 : vector<16xf32>
      %add3A_248 = arith.addf %add3A_232, %mul3A_247 : vector<16xf32>
      %get3A_249 = arith.constant 14 : i32
      %get3A_250 = arith.index_cast %get3A_249 : i32 to index
      %get3A_251 = arith.index_cast %mul3A_22 : i32 to index
      %get3A_252 = tpu.vector_load %arg14[%get3A_250, %get3A_251] {strides = array<i32>} : memref<32x512xf32, #tpu.memory_space<vmem>>, vector<16xf32>,
      %get3A_253 = arith.constant 14 : i32
      %get3A_254 = arith.index_cast %get3A_253 : i32 to index
      %get3A_255 = arith.index_cast %mul3A_22 : i32 to index
      %get3A_256 = tpu.vector_load %arg15[%get3A_254, %get3A_255] {strides = array<i32>} : memref<32x512xf32, #tpu.memory_space<vmem>>, vector<16xf32>,
      %get3A_257 = arith.constant 14 : i32
      %get3A_258 = arith.index_cast %get3A_257 : i32 to index
      %get3A_259 = arith.index_cast %mul3A_22 : i32 to index
      %get3A_260 = tpu.vector_load %arg16[%get3A_258, %get3A_259] {strides = array<i32>} : memref<32x512xf32, #tpu.memory_space<vmem>>, vector<16xf32>,
      %mul3A_261 = arith.mulf %get3A_252, %get3A_256 : vector<16xf32>
      %add3A_262 = arith.addf %add3A_246, %mul3A_261 : vector<16xf32>
      %mul3A_263 = arith.mulf %get3A_252, %get3A_260 : vector<16xf32>
      %add3A_264 = arith.addf %add3A_248, %mul3A_263 : vector<16xf32>
      %get3A_265 = arith.constant 15 : i32
      %get3A_266 = arith.index_cast %get3A_265 : i32 to index
      %get3A_267 = arith.index_cast %mul3A_22 : i32 to index
      %get3A_268 = tpu.vector_load %arg14[%get3A_266, %get3A_267] {strides = array<i32>} : memref<32x512xf32, #tpu.memory_space<vmem>>, vector<16xf32>,
      %get3A_269 = arith.constant 15 : i32
      %get3A_270 = arith.index_cast %get3A_269 : i32 to index
      %get3A_271 = arith.index_cast %mul3A_22 : i32 to index
      %get3A_272 = tpu.vector_load %arg15[%get3A_270, %get3A_271] {strides = array<i32>} : memref<32x512xf32, #tpu.memory_space<vmem>>, vector<16xf32>,
      %get3A_273 = arith.constant 15 : i32
      %get3A_274 = arith.index_cast %get3A_273 : i32 to index
      %get3A_275 = arith.index_cast %mul3A_22 : i32 to index
      %get3A_276 = tpu.vector_load %arg16[%get3A_274, %get3A_275] {strides = array<i32>} : memref<32x512xf32, #tpu.memory_space<vmem>>, vector<16xf32>,
      %mul3A_277 = arith.mulf %get3A_268, %get3A_272 : vector<16xf32>
      %add3A_278 = arith.addf %add3A_262, %mul3A_277 : vector<16xf32>
      %mul3A_279 = arith.mulf %get3A_268, %get3A_276 : vector<16xf32>
      %add3A_280 = arith.addf %add3A_264, %mul3A_279 : vector<16xf32>
      %get3A_281 = arith.constant 16 : i32
      %get3A_282 = arith.index_cast %get3A_281 : i32 to index
      %get3A_283 = arith.index_cast %mul3A_22 : i32 to index
      %get3A_284 = tpu.vector_load %arg14[%get3A_282, %get3A_283] {strides = array<i32>} : memref<32x512xf32, #tpu.memory_space<vmem>>, vector<16xf32>,
      %get3A_285 = arith.constant 16 : i32
      %get3A_286 = arith.index_cast %get3A_285 : i32 to index
      %get3A_287 = arith.index_cast %mul3A_22 : i32 to index
      %get3A_288 = tpu.vector_load %arg15[%get3A_286, %get3A_287] {strides = array<i32>} : memref<32x512xf32, #tpu.memory_space<vmem>>, vector<16xf32>,
      %get3A_289 = arith.constant 16 : i32
      %get3A_290 = arith.index_cast %get3A_289 : i32 to index
      %get3A_291 = arith.index_cast %mul3A_22 : i32 to index
      %get3A_292 = tpu.vector_load %arg16[%get3A_290, %get3A_291] {strides = array<i32>} : memref<32x512xf32, #tpu.memory_space<vmem>>, vector<16xf32>,
      %mul3A_293 = arith.mulf %get3A_284, %get3A_288 : vector<16xf32>
      %add3A_294 = arith.addf %add3A_278, %mul3A_293 : vector<16xf32>
      %mul3A_295 = arith.mulf %get3A_284, %get3A_292 : vector<16xf32>
      %add3A_296 = arith.addf %add3A_280, %mul3A_295 : vector<16xf32>
      %get3A_297 = arith.constant 17 : i32
      %get3A_298 = arith.index_cast %get3A_297 : i32 to index
      %get3A_299 = arith.index_cast %mul3A_22 : i32 to index
      %get3A_300 = tpu.vector_load %arg14[%get3A_298, %get3A_299] {strides = array<i32>} : memref<32x512xf32, #tpu.memory_space<vmem>>, vector<16xf32>,
      %get3A_301 = arith.constant 17 : i32
      %get3A_302 = arith.index_cast %get3A_301 : i32 to index
      %get3A_303 = arith.index_cast %mul3A_22 : i32 to index
      %get3A_304 = tpu.vector_load %arg15[%get3A_302, %get3A_303] {strides = array<i32>} : memref<32x512xf32, #tpu.memory_space<vmem>>, vector<16xf32>,
      %get3A_305 = arith.constant 17 : i32
      %get3A_306 = arith.index_cast %get3A_305 : i32 to index
      %get3A_307 = arith.index_cast %mul3A_22 : i32 to index
      %get3A_308 = tpu.vector_load %arg16[%get3A_306, %get3A_307] {strides = array<i32>} : memref<32x512xf32, #tpu.memory_space<vmem>>, vector<16xf32>,
      %mul3A_309 = arith.mulf %get3A_300, %get3A_304 : vector<16xf32>
      %add3A_310 = arith.addf %add3A_294, %mul3A_309 : vector<16xf32>
      %mul3A_311 = arith.mulf %get3A_300, %get3A_308 : vector<16xf32>
      %add3A_312 = arith.addf %add3A_296, %mul3A_311 : vector<16xf32>
      %get3A_313 = arith.constant 18 : i32
      %get3A_314 = arith.index_cast %get3A_313 : i32 to index
      %get3A_315 = arith.index_cast %mul3A_22 : i32 to index
      %get3A_316 = tpu.vector_load %arg14[%get3A_314, %get3A_315] {strides = array<i32>} : memref<32x512xf32, #tpu.memory_space<vmem>>, vector<16xf32>,
      %get3A_317 = arith.constant 18 : i32
      %get3A_318 = arith.index_cast %get3A_317 : i32 to index
      %get3A_319 = arith.index_cast %mul3A_22 : i32 to index
      %get3A_320 = tpu.vector_load %arg15[%get3A_318, %get3A_319] {strides = array<i32>} : memref<32x512xf32, #tpu.memory_space<vmem>>, vector<16xf32>,
      %get3A_321 = arith.constant 18 : i32
      %get3A_322 = arith.index_cast %get3A_321 : i32 to index
      %get3A_323 = arith.index_cast %mul3A_22 : i32 to index
      %get3A_324 = tpu.vector_load %arg16[%get3A_322, %get3A_323] {strides = array<i32>} : memref<32x512xf32, #tpu.memory_space<vmem>>, vector<16xf32>,
      %mul3A_325 = arith.mulf %get3A_316, %get3A_320 : vector<16xf32>
      %add3A_326 = arith.addf %add3A_310, %mul3A_325 : vector<16xf32>
      %mul3A_327 = arith.mulf %get3A_316, %get3A_324 : vector<16xf32>
      %add3A_328 = arith.addf %add3A_312, %mul3A_327 : vector<16xf32>
      %get3A_329 = arith.constant 19 : i32
      %get3A_330 = arith.index_cast %get3A_329 : i32 to index
      %get3A_331 = arith.index_cast %mul3A_22 : i32 to index
      %get3A_332 = tpu.vector_load %arg14[%get3A_330, %get3A_331] {strides = array<i32>} : memref<32x512xf32, #tpu.memory_space<vmem>>, vector<16xf32>,
      %get3A_333 = arith.constant 19 : i32
      %get3A_334 = arith.index_cast %get3A_333 : i32 to index
      %get3A_335 = arith.index_cast %mul3A_22 : i32 to index
      %get3A_336 = tpu.vector_load %arg15[%get3A_334, %get3A_335] {strides = array<i32>} : memref<32x512xf32, #tpu.memory_space<vmem>>, vector<16xf32>,
      %get3A_337 = arith.constant 19 : i32
      %get3A_338 = arith.index_cast %get3A_337 : i32 to index
      %get3A_339 = arith.index_cast %mul3A_22 : i32 to index
      %get3A_340 = tpu.vector_load %arg16[%get3A_338, %get3A_339] {strides = array<i32>} : memref<32x512xf32, #tpu.memory_space<vmem>>, vector<16xf32>,
      %mul3A_341 = arith.mulf %get3A_332, %get3A_336 : vector<16xf32>
      %add3A_342 = arith.addf %add3A_326, %mul3A_341 : vector<16xf32>
      %mul3A_343 = arith.mulf %get3A_332, %get3A_340 : vector<16xf32>
      %add3A_344 = arith.addf %add3A_328, %mul3A_343 : vector<16xf32>
      %get3A_345 = arith.constant 20 : i32
      %get3A_346 = arith.index_cast %get3A_345 : i32 to index
      %get3A_347 = arith.index_cast %mul3A_22 : i32 to index
      %get3A_348 = tpu.vector_load %arg14[%get3A_346, %get3A_347] {strides = array<i32>} : memref<32x512xf32, #tpu.memory_space<vmem>>, vector<16xf32>,
      %get3A_349 = arith.constant 20 : i32
      %get3A_350 = arith.index_cast %get3A_349 : i32 to index
      %get3A_351 = arith.index_cast %mul3A_22 : i32 to index
      %get3A_352 = tpu.vector_load %arg15[%get3A_350, %get3A_351] {strides = array<i32>} : memref<32x512xf32, #tpu.memory_space<vmem>>, vector<16xf32>,
      %get3A_353 = arith.constant 20 : i32
      %get3A_354 = arith.index_cast %get3A_353 : i32 to index
      %get3A_355 = arith.index_cast %mul3A_22 : i32 to index
      %get3A_356 = tpu.vector_load %arg16[%get3A_354, %get3A_355] {strides = array<i32>} : memref<32x512xf32, #tpu.memory_space<vmem>>, vector<16xf32>,
      %mul3A_357 = arith.mulf %get3A_348, %get3A_352 : vector<16xf32>
      %add3A_358 = arith.addf %add3A_342, %mul3A_357 : vector<16xf32>
      %mul3A_359 = arith.mulf %get3A_348, %get3A_356 : vector<16xf32>
      %add3A_360 = arith.addf %add3A_344, %mul3A_359 : vector<16xf32>
      %get3A_361 = arith.constant 21 : i32
      %get3A_362 = arith.index_cast %get3A_361 : i32 to index
      %get3A_363 = arith.index_cast %mul3A_22 : i32 to index
      %get3A_364 = tpu.vector_load %arg14[%get3A_362, %get3A_363] {strides = array<i32>} : memref<32x512xf32, #tpu.memory_space<vmem>>, vector<16xf32>,
      %get3A_365 = arith.constant 21 : i32
      %get3A_366 = arith.index_cast %get3A_365 : i32 to index
      %get3A_367 = arith.index_cast %mul3A_22 : i32 to index
      %get3A_368 = tpu.vector_load %arg15[%get3A_366, %get3A_367] {strides = array<i32>} : memref<32x512xf32, #tpu.memory_space<vmem>>, vector<16xf32>,
      %get3A_369 = arith.constant 21 : i32
      %get3A_370 = arith.index_cast %get3A_369 : i32 to index
      %get3A_371 = arith.index_cast %mul3A_22 : i32 to index
      %get3A_372 = tpu.vector_load %arg16[%get3A_370, %get3A_371] {strides = array<i32>} : memref<32x512xf32, #tpu.memory_space<vmem>>, vector<16xf32>,
      %mul3A_373 = arith.mulf %get3A_364, %get3A_368 : vector<16xf32>
      %add3A_374 = arith.addf %add3A_358, %mul3A_373 : vector<16xf32>
      %mul3A_375 = arith.mulf %get3A_364, %get3A_372 : vector<16xf32>
      %add3A_376 = arith.addf %add3A_360, %mul3A_375 : vector<16xf32>
      %get3A_377 = arith.constant 22 : i32
      %get3A_378 = arith.index_cast %get3A_377 : i32 to index
      %get3A_379 = arith.index_cast %mul3A_22 : i32 to index
      %get3A_380 = tpu.vector_load %arg14[%get3A_378, %get3A_379] {strides = array<i32>} : memref<32x512xf32, #tpu.memory_space<vmem>>, vector<16xf32>,
      %get3A_381 = arith.constant 22 : i32
      %get3A_382 = arith.index_cast %get3A_381 : i32 to index
      %get3A_383 = arith.index_cast %mul3A_22 : i32 to index
      %get3A_384 = tpu.vector_load %arg15[%get3A_382, %get3A_383] {strides = array<i32>} : memref<32x512xf32, #tpu.memory_space<vmem>>, vector<16xf32>,
      %get3A_385 = arith.constant 22 : i32
      %get3A_386 = arith.index_cast %get3A_385 : i32 to index
      %get3A_387 = arith.index_cast %mul3A_22 : i32 to index
      %get3A_388 = tpu.vector_load %arg16[%get3A_386, %get3A_387] {strides = array<i32>} : memref<32x512xf32, #tpu.memory_space<vmem>>, vector<16xf32>,
      %mul3A_389 = arith.mulf %get3A_380, %get3A_384 : vector<16xf32>
      %add3A_390 = arith.addf %add3A_374, %mul3A_389 : vector<16xf32>
      %mul3A_391 = arith.mulf %get3A_380, %get3A_388 : vector<16xf32>
      %add3A_392 = arith.addf %add3A_376, %mul3A_391 : vector<16xf32>
      %get3A_393 = arith.constant 23 : i32
      %get3A_394 = arith.index_cast %get3A_393 : i32 to index
      %get3A_395 = arith.index_cast %mul3A_22 : i32 to index
      %get3A_396 = tpu.vector_load %arg14[%get3A_394, %get3A_395] {strides = array<i32>} : memref<32x512xf32, #tpu.memory_space<vmem>>, vector<16xf32>,
      %get3A_397 = arith.constant 23 : i32
      %get3A_398 = arith.index_cast %get3A_397 : i32 to index
      %get3A_399 = arith.index_cast %mul3A_22 : i32 to index
      %get3A_400 = tpu.vector_load %arg15[%get3A_398, %get3A_399] {strides = array<i32>} : memref<32x512xf32, #tpu.memory_space<vmem>>, vector<16xf32>,
      %get3A_401 = arith.constant 23 : i32
      %get3A_402 = arith.index_cast %get3A_401 : i32 to index
      %get3A_403 = arith.index_cast %mul3A_22 : i32 to index
      %get3A_404 = tpu.vector_load %arg16[%get3A_402, %get3A_403] {strides = array<i32>} : memref<32x512xf32, #tpu.memory_space<vmem>>, vector<16xf32>,
      %mul3A_405 = arith.mulf %get3A_396, %get3A_400 : vector<16xf32>
      %add3A_406 = arith.addf %add3A_390, %mul3A_405 : vector<16xf32>
      %mul3A_407 = arith.mulf %get3A_396, %get3A_404 : vector<16xf32>
      %add3A_408 = arith.addf %add3A_392, %mul3A_407 : vector<16xf32>
      %get3A_409 = arith.constant 24 : i32
      %get3A_410 = arith.index_cast %get3A_409 : i32 to index
      %get3A_411 = arith.index_cast %mul3A_22 : i32 to index
      %get3A_412 = tpu.vector_load %arg14[%get3A_410, %get3A_411] {strides = array<i32>} : memref<32x512xf32, #tpu.memory_space<vmem>>, vector<16xf32>,
      %get3A_413 = arith.constant 24 : i32
      %get3A_414 = arith.index_cast %get3A_413 : i32 to index
      %get3A_415 = arith.index_cast %mul3A_22 : i32 to index
      %get3A_416 = tpu.vector_load %arg15[%get3A_414, %get3A_415] {strides = array<i32>} : memref<32x512xf32, #tpu.memory_space<vmem>>, vector<16xf32>,
      %get3A_417 = arith.constant 24 : i32
      %get3A_418 = arith.index_cast %get3A_417 : i32 to index
      %get3A_419 = arith.index_cast %mul3A_22 : i32 to index
      %get3A_420 = tpu.vector_load %arg16[%get3A_418, %get3A_419] {strides = array<i32>} : memref<32x512xf32, #tpu.memory_space<vmem>>, vector<16xf32>,
      %mul3A_421 = arith.mulf %get3A_412, %get3A_416 : vector<16xf32>
      %add3A_422 = arith.addf %add3A_406, %mul3A_421 : vector<16xf32>
      %mul3A_423 = arith.mulf %get3A_412, %get3A_420 : vector<16xf32>
      %add3A_424 = arith.addf %add3A_408, %mul3A_423 : vector<16xf32>
      %get3A_425 = arith.constant 25 : i32
      %get3A_426 = arith.index_cast %get3A_425 : i32 to index
      %get3A_427 = arith.index_cast %mul3A_22 : i32 to index
      %get3A_428 = tpu.vector_load %arg14[%get3A_426, %get3A_427] {strides = array<i32>} : memref<32x512xf32, #tpu.memory_space<vmem>>, vector<16xf32>,
      %get3A_429 = arith.constant 25 : i32
      %get3A_430 = arith.index_cast %get3A_429 : i32 to index
      %get3A_431 = arith.index_cast %mul3A_22 : i32 to index
      %get3A_432 = tpu.vector_load %arg15[%get3A_430, %get3A_431] {strides = array<i32>} : memref<32x512xf32, #tpu.memory_space<vmem>>, vector<16xf32>,
      %get3A_433 = arith.constant 25 : i32
      %get3A_434 = arith.index_cast %get3A_433 : i32 to index
      %get3A_435 = arith.index_cast %mul3A_22 : i32 to index
      %get3A_436 = tpu.vector_load %arg16[%get3A_434, %get3A_435] {strides = array<i32>} : memref<32x512xf32, #tpu.memory_space<vmem>>, vector<16xf32>,
      %mul3A_437 = arith.mulf %get3A_428, %get3A_432 : vector<16xf32>
      %add3A_438 = arith.addf %add3A_422, %mul3A_437 : vector<16xf32>
      %mul3A_439 = arith.mulf %get3A_428, %get3A_436 : vector<16xf32>
      %add3A_440 = arith.addf %add3A_424, %mul3A_439 : vector<16xf32>
      %get3A_441 = arith.constant 26 : i32
      %get3A_442 = arith.index_cast %get3A_441 : i32 to index
      %get3A_443 = arith.index_cast %mul3A_22 : i32 to index
      %get3A_444 = tpu.vector_load %arg14[%get3A_442, %get3A_443] {strides = array<i32>} : memref<32x512xf32, #tpu.memory_space<vmem>>, vector<16xf32>,
      %get3A_445 = arith.constant 26 : i32
      %get3A_446 = arith.index_cast %get3A_445 : i32 to index
      %get3A_447 = arith.index_cast %mul3A_22 : i32 to index
      %get3A_448 = tpu.vector_load %arg15[%get3A_446, %get3A_447] {strides = array<i32>} : memref<32x512xf32, #tpu.memory_space<vmem>>, vector<16xf32>,
      %get3A_449 = arith.constant 26 : i32
      %get3A_450 = arith.index_cast %get3A_449 : i32 to index
      %get3A_451 = arith.index_cast %mul3A_22 : i32 to index
      %get3A_452 = tpu.vector_load %arg16[%get3A_450, %get3A_451] {strides = array<i32>} : memref<32x512xf32, #tpu.memory_space<vmem>>, vector<16xf32>,
      %mul3A_453 = arith.mulf %get3A_444, %get3A_448 : vector<16xf32>
      %add3A_454 = arith.addf %add3A_438, %mul3A_453 : vector<16xf32>
      %mul3A_455 = arith.mulf %get3A_444, %get3A_452 : vector<16xf32>
      %add3A_456 = arith.addf %add3A_440, %mul3A_455 : vector<16xf32>
      %get3A_457 = arith.constant 27 : i32
      %get3A_458 = arith.index_cast %get3A_457 : i32 to index
      %get3A_459 = arith.index_cast %mul3A_22 : i32 to index
      %get3A_460 = tpu.vector_load %arg14[%get3A_458, %get3A_459] {strides = array<i32>} : memref<32x512xf32, #tpu.memory_space<vmem>>, vector<16xf32>,
      %get3A_461 = arith.constant 27 : i32
      %get3A_462 = arith.index_cast %get3A_461 : i32 to index
      %get3A_463 = arith.index_cast %mul3A_22 : i32 to index
      %get3A_464 = tpu.vector_load %arg15[%get3A_462, %get3A_463] {strides = array<i32>} : memref<32x512xf32, #tpu.memory_space<vmem>>, vector<16xf32>,
      %get3A_465 = arith.constant 27 : i32
      %get3A_466 = arith.index_cast %get3A_465 : i32 to index
      %get3A_467 = arith.index_cast %mul3A_22 : i32 to index
      %get3A_468 = tpu.vector_load %arg16[%get3A_466, %get3A_467] {strides = array<i32>} : memref<32x512xf32, #tpu.memory_space<vmem>>, vector<16xf32>,
      %mul3A_469 = arith.mulf %get3A_460, %get3A_464 : vector<16xf32>
      %add3A_470 = arith.addf %add3A_454, %mul3A_469 : vector<16xf32>
      %mul3A_471 = arith.mulf %get3A_460, %get3A_468 : vector<16xf32>
      %add3A_472 = arith.addf %add3A_456, %mul3A_471 : vector<16xf32>
      %get3A_473 = arith.constant 28 : i32
      %get3A_474 = arith.index_cast %get3A_473 : i32 to index
      %get3A_475 = arith.index_cast %mul3A_22 : i32 to index
      %get3A_476 = tpu.vector_load %arg14[%get3A_474, %get3A_475] {strides = array<i32>} : memref<32x512xf32, #tpu.memory_space<vmem>>, vector<16xf32>,
      %get3A_477 = arith.constant 28 : i32
      %get3A_478 = arith.index_cast %get3A_477 : i32 to index
      %get3A_479 = arith.index_cast %mul3A_22 : i32 to index
      %get3A_480 = tpu.vector_load %arg15[%get3A_478, %get3A_479] {strides = array<i32>} : memref<32x512xf32, #tpu.memory_space<vmem>>, vector<16xf32>,
      %get3A_481 = arith.constant 28 : i32
      %get3A_482 = arith.index_cast %get3A_481 : i32 to index
      %get3A_483 = arith.index_cast %mul3A_22 : i32 to index
      %get3A_484 = tpu.vector_load %arg16[%get3A_482, %get3A_483] {strides = array<i32>} : memref<32x512xf32, #tpu.memory_space<vmem>>, vector<16xf32>,
      %mul3A_485 = arith.mulf %get3A_476, %get3A_480 : vector<16xf32>
      %add3A_486 = arith.addf %add3A_470, %mul3A_485 : vector<16xf32>
      %mul3A_487 = arith.mulf %get3A_476, %get3A_484 : vector<16xf32>
      %add3A_488 = arith.addf %add3A_472, %mul3A_487 : vector<16xf32>
      %get3A_489 = arith.constant 29 : i32
      %get3A_490 = arith.index_cast %get3A_489 : i32 to index
      %get3A_491 = arith.index_cast %mul3A_22 : i32 to index
      %get3A_492 = tpu.vector_load %arg14[%get3A_490, %get3A_491] {strides = array<i32>} : memref<32x512xf32, #tpu.memory_space<vmem>>, vector<16xf32>,
      %get3A_493 = arith.constant 29 : i32
      %get3A_494 = arith.index_cast %get3A_493 : i32 to index
      %get3A_495 = arith.index_cast %mul3A_22 : i32 to index
      %get3A_496 = tpu.vector_load %arg15[%get3A_494, %get3A_495] {strides = array<i32>} : memref<32x512xf32, #tpu.memory_space<vmem>>, vector<16xf32>,
      %get3A_497 = arith.constant 29 : i32
      %get3A_498 = arith.index_cast %get3A_497 : i32 to index
      %get3A_499 = arith.index_cast %mul3A_22 : i32 to index
      %get3A_500 = tpu.vector_load %arg16[%get3A_498, %get3A_499] {strides = array<i32>} : memref<32x512xf32, #tpu.memory_space<vmem>>, vector<16xf32>,
      %mul3A_501 = arith.mulf %get3A_492, %get3A_496 : vector<16xf32>
      %add3A_502 = arith.addf %add3A_486, %mul3A_501 : vector<16xf32>
      %mul3A_503 = arith.mulf %get3A_492, %get3A_500 : vector<16xf32>
      %add3A_504 = arith.addf %add3A_488, %mul3A_503 : vector<16xf32>
      %get3A_505 = arith.constant 30 : i32
      %get3A_506 = arith.index_cast %get3A_505 : i32 to index
      %get3A_507 = arith.index_cast %mul3A_22 : i32 to index
      %get3A_508 = tpu.vector_load %arg14[%get3A_506, %get3A_507] {strides = array<i32>} : memref<32x512xf32, #tpu.memory_space<vmem>>, vector<16xf32>,
      %get3A_509 = arith.constant 30 : i32
      %get3A_510 = arith.index_cast %get3A_509 : i32 to index
      %get3A_511 = arith.index_cast %mul3A_22 : i32 to index
      %get3A_512 = tpu.vector_load %arg15[%get3A_510, %get3A_511] {strides = array<i32>} : memref<32x512xf32, #tpu.memory_space<vmem>>, vector<16xf32>,
      %get3A_513 = arith.constant 30 : i32
      %get3A_514 = arith.index_cast %get3A_513 : i32 to index
      %get3A_515 = arith.index_cast %mul3A_22 : i32 to index
      %get3A_516 = tpu.vector_load %arg16[%get3A_514, %get3A_515] {strides = array<i32>} : memref<32x512xf32, #tpu.memory_space<vmem>>, vector<16xf32>,
      %mul3A_517 = arith.mulf %get3A_508, %get3A_512 : vector<16xf32>
      %add3A_518 = arith.addf %add3A_502, %mul3A_517 : vector<16xf32>
      %mul3A_519 = arith.mulf %get3A_508, %get3A_516 : vector<16xf32>
      %add3A_520 = arith.addf %add3A_504, %mul3A_519 : vector<16xf32>
      %get3A_521 = arith.constant 31 : i32
      %get3A_522 = arith.index_cast %get3A_521 : i32 to index
      %get3A_523 = arith.index_cast %mul3A_22 : i32 to index
      %get3A_524 = tpu.vector_load %arg14[%get3A_522, %get3A_523] {strides = array<i32>} : memref<32x512xf32, #tpu.memory_space<vmem>>, vector<16xf32>,
      %get3A_525 = arith.constant 31 : i32
      %get3A_526 = arith.index_cast %get3A_525 : i32 to index
      %get3A_527 = arith.index_cast %mul3A_22 : i32 to index
      %get3A_528 = tpu.vector_load %arg15[%get3A_526, %get3A_527] {strides = array<i32>} : memref<32x512xf32, #tpu.memory_space<vmem>>, vector<16xf32>,
      %get3A_529 = arith.constant 31 : i32
      %get3A_530 = arith.index_cast %get3A_529 : i32 to index
      %get3A_531 = arith.index_cast %mul3A_22 : i32 to index
      %get3A_532 = tpu.vector_load %arg16[%get3A_530, %get3A_531] {strides = array<i32>} : memref<32x512xf32, #tpu.memory_space<vmem>>, vector<16xf32>,
      %mul3A_533 = arith.mulf %get3A_524, %get3A_528 : vector<16xf32>
      %add3A_534 = arith.addf %add3A_518, %mul3A_533 : vector<16xf32>
      %mul3A_535 = arith.mulf %get3A_524, %get3A_532 : vector<16xf32>
      %add3A_536 = arith.addf %add3A_520, %mul3A_535 : vector<16xf32>
      %sub3A = arith.subf %add3A_534, %add3A_536 : vector<16xf32>
      %swap3A = arith.index_cast %mul3A_22 : i32 to index
      %swap3A_537 = tpu.vector_load %arg17[%swap3A] {strides = array<i32>} : memref<512xf32, #tpu.memory_space<vmem>>, vector<16xf32>,
      tpu.vector_store %arg17[%swap3A], %sub3A {strides = array<i32>} : memref<512xf32, #tpu.memory_space<vmem>>, vector<16xf32>,
    }
    %scan3A_19 = arith.constant 32 : i32
    "tpu.region"() ({
      %run_scoped3A = tpu.sem_alloc : memref<!tpu.dma_semaphore, #tpu.memory_space<semaphore_mem>>
      %dma_start3A = tpu.memref_slice %arg7[%multiple_of3A] : memref<16384xf32, #tpu.memory_space<hbm>> -> memref<512xf32, #tpu.memory_space<hbm>>
      %dma_start3A_20 = tpu.memref_slice %arg7[%multiple_of3A] : memref<16384xf32, #tpu.memory_space<hbm>> -> memref<512xf32, #tpu.memory_space<hbm>>
      tpu.enqueue_dma source(%arg17 : memref<512xf32, #tpu.memory_space<vmem>>) target(%dma_start3A_20 : memref<512xf32, #tpu.memory_space<hbm>>) target_semaphore(%run_scoped3A : memref<!tpu.dma_semaphore, #tpu.memory_space<semaphore_mem>>)
      %dma_wait3A = tpu.memref_slice %arg7[%multiple_of3A] : memref<16384xf32, #tpu.memory_space<hbm>> -> memref<512xf32, #tpu.memory_space<hbm>>
      %dma_wait3A_21 = tpu.memref_slice %arg7[%multiple_of3A] : memref<16384xf32, #tpu.memory_space<hbm>> -> memref<512xf32, #tpu.memory_space<hbm>>
      tpu.wait_dma2 semaphore(%run_scoped3A : memref<!tpu.dma_semaphore, #tpu.memory_space<semaphore_mem>>) src(%arg17 : memref<512xf32, #tpu.memory_space<vmem>>) dst(%dma_wait3A_21 : memref<512xf32, #tpu.memory_space<hbm>>)
      tpu.yield
    }) : () -> ()
    return
  }
}

module attributes {stable_mosaic.version = 14 : i64} {
  func.func @body(%arg0: i32, %arg1: memref<32x32768xf32, #tpu.memory_space<vmem>>, %arg2: memref<1048576xf32, #tpu.memory_space<vmem>>) attributes {dimension_semantics = [#tpu.dimension_semantics<arbitrary>], iteration_bounds = array<i64: 31>, scalar_prefetch = 0 : i64, scratch_operands = 0 : i64, tpu.core_type = #tpu.core_type<tc>, window_params = [{transform_indices = @transform_0, window_bounds = array<i64: 32, 32768>}, {transform_indices = @transform_1, window_bounds = array<i64: 1048576>}]} {
    %get3A = arith.constant 0 : index
    %get3A_0 = arith.constant 0 : index
    %get3A_1 = vector.load %arg1[%get3A, %get3A_0] : memref<32x32768xf32, #tpu.memory_space<vmem>>, vector<1x32768xf32>
    %get3A_2 = vector.shape_cast %get3A_1 : vector<1x32768xf32> to vector<32768xf32>
    %swap3A = arith.constant 0 : index
    %swap3A_3 = vector.load %arg2[%swap3A] : memref<1048576xf32, #tpu.memory_space<vmem>>, vector<32768xf32>
    tpu.vector_store %arg2[%swap3A], %get3A_2 {strides = array<i32>} : memref<1048576xf32, #tpu.memory_space<vmem>>, vector<32768xf32>,
    %get3A_4 = arith.constant 1 : index
    %get3A_5 = arith.constant 0 : index
    %get3A_6 = vector.load %arg1[%get3A_4, %get3A_5] : memref<32x32768xf32, #tpu.memory_space<vmem>>, vector<1x32768xf32>
    %get3A_7 = vector.shape_cast %get3A_6 : vector<1x32768xf32> to vector<32768xf32>
    %swap3A_8 = arith.constant 32768 : index
    %swap3A_9 = vector.load %arg2[%swap3A_8] : memref<1048576xf32, #tpu.memory_space<vmem>>, vector<32768xf32>
    tpu.vector_store %arg2[%swap3A_8], %get3A_7 {strides = array<i32>} : memref<1048576xf32, #tpu.memory_space<vmem>>, vector<32768xf32>,
    %get3A_10 = arith.constant 2 : index
    %get3A_11 = arith.constant 0 : index
    %get3A_12 = vector.load %arg1[%get3A_10, %get3A_11] : memref<32x32768xf32, #tpu.memory_space<vmem>>, vector<1x32768xf32>
    %get3A_13 = vector.shape_cast %get3A_12 : vector<1x32768xf32> to vector<32768xf32>
    %swap3A_14 = arith.constant 65536 : index
    %swap3A_15 = vector.load %arg2[%swap3A_14] : memref<1048576xf32, #tpu.memory_space<vmem>>, vector<32768xf32>
    tpu.vector_store %arg2[%swap3A_14], %get3A_13 {strides = array<i32>} : memref<1048576xf32, #tpu.memory_space<vmem>>, vector<32768xf32>,
    %get3A_16 = arith.constant 3 : index
    %get3A_17 = arith.constant 0 : index
    %get3A_18 = vector.load %arg1[%get3A_16, %get3A_17] : memref<32x32768xf32, #tpu.memory_space<vmem>>, vector<1x32768xf32>
    %get3A_19 = vector.shape_cast %get3A_18 : vector<1x32768xf32> to vector<32768xf32>
    %swap3A_20 = arith.constant 98304 : index
    %swap3A_21 = vector.load %arg2[%swap3A_20] : memref<1048576xf32, #tpu.memory_space<vmem>>, vector<32768xf32>
    tpu.vector_store %arg2[%swap3A_20], %get3A_19 {strides = array<i32>} : memref<1048576xf32, #tpu.memory_space<vmem>>, vector<32768xf32>,
    %get3A_22 = arith.constant 4 : index
    %get3A_23 = arith.constant 0 : index
    %get3A_24 = vector.load %arg1[%get3A_22, %get3A_23] : memref<32x32768xf32, #tpu.memory_space<vmem>>, vector<1x32768xf32>
    %get3A_25 = vector.shape_cast %get3A_24 : vector<1x32768xf32> to vector<32768xf32>
    %swap3A_26 = arith.constant 131072 : index
    %swap3A_27 = vector.load %arg2[%swap3A_26] : memref<1048576xf32, #tpu.memory_space<vmem>>, vector<32768xf32>
    tpu.vector_store %arg2[%swap3A_26], %get3A_25 {strides = array<i32>} : memref<1048576xf32, #tpu.memory_space<vmem>>, vector<32768xf32>,
    %get3A_28 = arith.constant 5 : index
    %get3A_29 = arith.constant 0 : index
    %get3A_30 = vector.load %arg1[%get3A_28, %get3A_29] : memref<32x32768xf32, #tpu.memory_space<vmem>>, vector<1x32768xf32>
    %get3A_31 = vector.shape_cast %get3A_30 : vector<1x32768xf32> to vector<32768xf32>
    %swap3A_32 = arith.constant 163840 : index
    %swap3A_33 = vector.load %arg2[%swap3A_32] : memref<1048576xf32, #tpu.memory_space<vmem>>, vector<32768xf32>
    tpu.vector_store %arg2[%swap3A_32], %get3A_31 {strides = array<i32>} : memref<1048576xf32, #tpu.memory_space<vmem>>, vector<32768xf32>,
    %get3A_34 = arith.constant 6 : index
    %get3A_35 = arith.constant 0 : index
    %get3A_36 = vector.load %arg1[%get3A_34, %get3A_35] : memref<32x32768xf32, #tpu.memory_space<vmem>>, vector<1x32768xf32>
    %get3A_37 = vector.shape_cast %get3A_36 : vector<1x32768xf32> to vector<32768xf32>
    %swap3A_38 = arith.constant 196608 : index
    %swap3A_39 = vector.load %arg2[%swap3A_38] : memref<1048576xf32, #tpu.memory_space<vmem>>, vector<32768xf32>
    tpu.vector_store %arg2[%swap3A_38], %get3A_37 {strides = array<i32>} : memref<1048576xf32, #tpu.memory_space<vmem>>, vector<32768xf32>,
    %get3A_40 = arith.constant 7 : index
    %get3A_41 = arith.constant 0 : index
    %get3A_42 = vector.load %arg1[%get3A_40, %get3A_41] : memref<32x32768xf32, #tpu.memory_space<vmem>>, vector<1x32768xf32>
    %get3A_43 = vector.shape_cast %get3A_42 : vector<1x32768xf32> to vector<32768xf32>
    %swap3A_44 = arith.constant 229376 : index
    %swap3A_45 = vector.load %arg2[%swap3A_44] : memref<1048576xf32, #tpu.memory_space<vmem>>, vector<32768xf32>
    tpu.vector_store %arg2[%swap3A_44], %get3A_43 {strides = array<i32>} : memref<1048576xf32, #tpu.memory_space<vmem>>, vector<32768xf32>,
    %get3A_46 = arith.constant 8 : index
    %get3A_47 = arith.constant 0 : index
    %get3A_48 = vector.load %arg1[%get3A_46, %get3A_47] : memref<32x32768xf32, #tpu.memory_space<vmem>>, vector<1x32768xf32>
    %get3A_49 = vector.shape_cast %get3A_48 : vector<1x32768xf32> to vector<32768xf32>
    %swap3A_50 = arith.constant 262144 : index
    %swap3A_51 = vector.load %arg2[%swap3A_50] : memref<1048576xf32, #tpu.memory_space<vmem>>, vector<32768xf32>
    tpu.vector_store %arg2[%swap3A_50], %get3A_49 {strides = array<i32>} : memref<1048576xf32, #tpu.memory_space<vmem>>, vector<32768xf32>,
    %get3A_52 = arith.constant 9 : index
    %get3A_53 = arith.constant 0 : index
    %get3A_54 = vector.load %arg1[%get3A_52, %get3A_53] : memref<32x32768xf32, #tpu.memory_space<vmem>>, vector<1x32768xf32>
    %get3A_55 = vector.shape_cast %get3A_54 : vector<1x32768xf32> to vector<32768xf32>
    %swap3A_56 = arith.constant 294912 : index
    %swap3A_57 = vector.load %arg2[%swap3A_56] : memref<1048576xf32, #tpu.memory_space<vmem>>, vector<32768xf32>
    tpu.vector_store %arg2[%swap3A_56], %get3A_55 {strides = array<i32>} : memref<1048576xf32, #tpu.memory_space<vmem>>, vector<32768xf32>,
    %get3A_58 = arith.constant 10 : index
    %get3A_59 = arith.constant 0 : index
    %get3A_60 = vector.load %arg1[%get3A_58, %get3A_59] : memref<32x32768xf32, #tpu.memory_space<vmem>>, vector<1x32768xf32>
    %get3A_61 = vector.shape_cast %get3A_60 : vector<1x32768xf32> to vector<32768xf32>
    %swap3A_62 = arith.constant 327680 : index
    %swap3A_63 = vector.load %arg2[%swap3A_62] : memref<1048576xf32, #tpu.memory_space<vmem>>, vector<32768xf32>
    tpu.vector_store %arg2[%swap3A_62], %get3A_61 {strides = array<i32>} : memref<1048576xf32, #tpu.memory_space<vmem>>, vector<32768xf32>,
    %get3A_64 = arith.constant 11 : index
    %get3A_65 = arith.constant 0 : index
    %get3A_66 = vector.load %arg1[%get3A_64, %get3A_65] : memref<32x32768xf32, #tpu.memory_space<vmem>>, vector<1x32768xf32>
    %get3A_67 = vector.shape_cast %get3A_66 : vector<1x32768xf32> to vector<32768xf32>
    %swap3A_68 = arith.constant 360448 : index
    %swap3A_69 = vector.load %arg2[%swap3A_68] : memref<1048576xf32, #tpu.memory_space<vmem>>, vector<32768xf32>
    tpu.vector_store %arg2[%swap3A_68], %get3A_67 {strides = array<i32>} : memref<1048576xf32, #tpu.memory_space<vmem>>, vector<32768xf32>,
    %get3A_70 = arith.constant 12 : index
    %get3A_71 = arith.constant 0 : index
    %get3A_72 = vector.load %arg1[%get3A_70, %get3A_71] : memref<32x32768xf32, #tpu.memory_space<vmem>>, vector<1x32768xf32>
    %get3A_73 = vector.shape_cast %get3A_72 : vector<1x32768xf32> to vector<32768xf32>
    %swap3A_74 = arith.constant 393216 : index
    %swap3A_75 = vector.load %arg2[%swap3A_74] : memref<1048576xf32, #tpu.memory_space<vmem>>, vector<32768xf32>
    tpu.vector_store %arg2[%swap3A_74], %get3A_73 {strides = array<i32>} : memref<1048576xf32, #tpu.memory_space<vmem>>, vector<32768xf32>,
    %get3A_76 = arith.constant 13 : index
    %get3A_77 = arith.constant 0 : index
    %get3A_78 = vector.load %arg1[%get3A_76, %get3A_77] : memref<32x32768xf32, #tpu.memory_space<vmem>>, vector<1x32768xf32>
    %get3A_79 = vector.shape_cast %get3A_78 : vector<1x32768xf32> to vector<32768xf32>
    %swap3A_80 = arith.constant 425984 : index
    %swap3A_81 = vector.load %arg2[%swap3A_80] : memref<1048576xf32, #tpu.memory_space<vmem>>, vector<32768xf32>
    tpu.vector_store %arg2[%swap3A_80], %get3A_79 {strides = array<i32>} : memref<1048576xf32, #tpu.memory_space<vmem>>, vector<32768xf32>,
    %get3A_82 = arith.constant 14 : index
    %get3A_83 = arith.constant 0 : index
    %get3A_84 = vector.load %arg1[%get3A_82, %get3A_83] : memref<32x32768xf32, #tpu.memory_space<vmem>>, vector<1x32768xf32>
    %get3A_85 = vector.shape_cast %get3A_84 : vector<1x32768xf32> to vector<32768xf32>
    %swap3A_86 = arith.constant 458752 : index
    %swap3A_87 = vector.load %arg2[%swap3A_86] : memref<1048576xf32, #tpu.memory_space<vmem>>, vector<32768xf32>
    tpu.vector_store %arg2[%swap3A_86], %get3A_85 {strides = array<i32>} : memref<1048576xf32, #tpu.memory_space<vmem>>, vector<32768xf32>,
    %get3A_88 = arith.constant 15 : index
    %get3A_89 = arith.constant 0 : index
    %get3A_90 = vector.load %arg1[%get3A_88, %get3A_89] : memref<32x32768xf32, #tpu.memory_space<vmem>>, vector<1x32768xf32>
    %get3A_91 = vector.shape_cast %get3A_90 : vector<1x32768xf32> to vector<32768xf32>
    %swap3A_92 = arith.constant 491520 : index
    %swap3A_93 = vector.load %arg2[%swap3A_92] : memref<1048576xf32, #tpu.memory_space<vmem>>, vector<32768xf32>
    tpu.vector_store %arg2[%swap3A_92], %get3A_91 {strides = array<i32>} : memref<1048576xf32, #tpu.memory_space<vmem>>, vector<32768xf32>,
    %get3A_94 = arith.constant 16 : index
    %get3A_95 = arith.constant 0 : index
    %get3A_96 = vector.load %arg1[%get3A_94, %get3A_95] : memref<32x32768xf32, #tpu.memory_space<vmem>>, vector<1x32768xf32>
    %get3A_97 = vector.shape_cast %get3A_96 : vector<1x32768xf32> to vector<32768xf32>
    %swap3A_98 = arith.constant 524288 : index
    %swap3A_99 = vector.load %arg2[%swap3A_98] : memref<1048576xf32, #tpu.memory_space<vmem>>, vector<32768xf32>
    tpu.vector_store %arg2[%swap3A_98], %get3A_97 {strides = array<i32>} : memref<1048576xf32, #tpu.memory_space<vmem>>, vector<32768xf32>,
    %get3A_100 = arith.constant 17 : index
    %get3A_101 = arith.constant 0 : index
    %get3A_102 = vector.load %arg1[%get3A_100, %get3A_101] : memref<32x32768xf32, #tpu.memory_space<vmem>>, vector<1x32768xf32>
    %get3A_103 = vector.shape_cast %get3A_102 : vector<1x32768xf32> to vector<32768xf32>
    %swap3A_104 = arith.constant 557056 : index
    %swap3A_105 = vector.load %arg2[%swap3A_104] : memref<1048576xf32, #tpu.memory_space<vmem>>, vector<32768xf32>
    tpu.vector_store %arg2[%swap3A_104], %get3A_103 {strides = array<i32>} : memref<1048576xf32, #tpu.memory_space<vmem>>, vector<32768xf32>,
    %get3A_106 = arith.constant 18 : index
    %get3A_107 = arith.constant 0 : index
    %get3A_108 = vector.load %arg1[%get3A_106, %get3A_107] : memref<32x32768xf32, #tpu.memory_space<vmem>>, vector<1x32768xf32>
    %get3A_109 = vector.shape_cast %get3A_108 : vector<1x32768xf32> to vector<32768xf32>
    %swap3A_110 = arith.constant 589824 : index
    %swap3A_111 = vector.load %arg2[%swap3A_110] : memref<1048576xf32, #tpu.memory_space<vmem>>, vector<32768xf32>
    tpu.vector_store %arg2[%swap3A_110], %get3A_109 {strides = array<i32>} : memref<1048576xf32, #tpu.memory_space<vmem>>, vector<32768xf32>,
    %get3A_112 = arith.constant 19 : index
    %get3A_113 = arith.constant 0 : index
    %get3A_114 = vector.load %arg1[%get3A_112, %get3A_113] : memref<32x32768xf32, #tpu.memory_space<vmem>>, vector<1x32768xf32>
    %get3A_115 = vector.shape_cast %get3A_114 : vector<1x32768xf32> to vector<32768xf32>
    %swap3A_116 = arith.constant 622592 : index
    %swap3A_117 = vector.load %arg2[%swap3A_116] : memref<1048576xf32, #tpu.memory_space<vmem>>, vector<32768xf32>
    tpu.vector_store %arg2[%swap3A_116], %get3A_115 {strides = array<i32>} : memref<1048576xf32, #tpu.memory_space<vmem>>, vector<32768xf32>,
    %get3A_118 = arith.constant 20 : index
    %get3A_119 = arith.constant 0 : index
    %get3A_120 = vector.load %arg1[%get3A_118, %get3A_119] : memref<32x32768xf32, #tpu.memory_space<vmem>>, vector<1x32768xf32>
    %get3A_121 = vector.shape_cast %get3A_120 : vector<1x32768xf32> to vector<32768xf32>
    %swap3A_122 = arith.constant 655360 : index
    %swap3A_123 = vector.load %arg2[%swap3A_122] : memref<1048576xf32, #tpu.memory_space<vmem>>, vector<32768xf32>
    tpu.vector_store %arg2[%swap3A_122], %get3A_121 {strides = array<i32>} : memref<1048576xf32, #tpu.memory_space<vmem>>, vector<32768xf32>,
    %get3A_124 = arith.constant 21 : index
    %get3A_125 = arith.constant 0 : index
    %get3A_126 = vector.load %arg1[%get3A_124, %get3A_125] : memref<32x32768xf32, #tpu.memory_space<vmem>>, vector<1x32768xf32>
    %get3A_127 = vector.shape_cast %get3A_126 : vector<1x32768xf32> to vector<32768xf32>
    %swap3A_128 = arith.constant 688128 : index
    %swap3A_129 = vector.load %arg2[%swap3A_128] : memref<1048576xf32, #tpu.memory_space<vmem>>, vector<32768xf32>
    tpu.vector_store %arg2[%swap3A_128], %get3A_127 {strides = array<i32>} : memref<1048576xf32, #tpu.memory_space<vmem>>, vector<32768xf32>,
    %get3A_130 = arith.constant 22 : index
    %get3A_131 = arith.constant 0 : index
    %get3A_132 = vector.load %arg1[%get3A_130, %get3A_131] : memref<32x32768xf32, #tpu.memory_space<vmem>>, vector<1x32768xf32>
    %get3A_133 = vector.shape_cast %get3A_132 : vector<1x32768xf32> to vector<32768xf32>
    %swap3A_134 = arith.constant 720896 : index
    %swap3A_135 = vector.load %arg2[%swap3A_134] : memref<1048576xf32, #tpu.memory_space<vmem>>, vector<32768xf32>
    tpu.vector_store %arg2[%swap3A_134], %get3A_133 {strides = array<i32>} : memref<1048576xf32, #tpu.memory_space<vmem>>, vector<32768xf32>,
    %get3A_136 = arith.constant 23 : index
    %get3A_137 = arith.constant 0 : index
    %get3A_138 = vector.load %arg1[%get3A_136, %get3A_137] : memref<32x32768xf32, #tpu.memory_space<vmem>>, vector<1x32768xf32>
    %get3A_139 = vector.shape_cast %get3A_138 : vector<1x32768xf32> to vector<32768xf32>
    %swap3A_140 = arith.constant 753664 : index
    %swap3A_141 = vector.load %arg2[%swap3A_140] : memref<1048576xf32, #tpu.memory_space<vmem>>, vector<32768xf32>
    tpu.vector_store %arg2[%swap3A_140], %get3A_139 {strides = array<i32>} : memref<1048576xf32, #tpu.memory_space<vmem>>, vector<32768xf32>,
    %get3A_142 = arith.constant 24 : index
    %get3A_143 = arith.constant 0 : index
    %get3A_144 = vector.load %arg1[%get3A_142, %get3A_143] : memref<32x32768xf32, #tpu.memory_space<vmem>>, vector<1x32768xf32>
    %get3A_145 = vector.shape_cast %get3A_144 : vector<1x32768xf32> to vector<32768xf32>
    %swap3A_146 = arith.constant 786432 : index
    %swap3A_147 = vector.load %arg2[%swap3A_146] : memref<1048576xf32, #tpu.memory_space<vmem>>, vector<32768xf32>
    tpu.vector_store %arg2[%swap3A_146], %get3A_145 {strides = array<i32>} : memref<1048576xf32, #tpu.memory_space<vmem>>, vector<32768xf32>,
    %get3A_148 = arith.constant 25 : index
    %get3A_149 = arith.constant 0 : index
    %get3A_150 = vector.load %arg1[%get3A_148, %get3A_149] : memref<32x32768xf32, #tpu.memory_space<vmem>>, vector<1x32768xf32>
    %get3A_151 = vector.shape_cast %get3A_150 : vector<1x32768xf32> to vector<32768xf32>
    %swap3A_152 = arith.constant 819200 : index
    %swap3A_153 = vector.load %arg2[%swap3A_152] : memref<1048576xf32, #tpu.memory_space<vmem>>, vector<32768xf32>
    tpu.vector_store %arg2[%swap3A_152], %get3A_151 {strides = array<i32>} : memref<1048576xf32, #tpu.memory_space<vmem>>, vector<32768xf32>,
    %get3A_154 = arith.constant 26 : index
    %get3A_155 = arith.constant 0 : index
    %get3A_156 = vector.load %arg1[%get3A_154, %get3A_155] : memref<32x32768xf32, #tpu.memory_space<vmem>>, vector<1x32768xf32>
    %get3A_157 = vector.shape_cast %get3A_156 : vector<1x32768xf32> to vector<32768xf32>
    %swap3A_158 = arith.constant 851968 : index
    %swap3A_159 = vector.load %arg2[%swap3A_158] : memref<1048576xf32, #tpu.memory_space<vmem>>, vector<32768xf32>
    tpu.vector_store %arg2[%swap3A_158], %get3A_157 {strides = array<i32>} : memref<1048576xf32, #tpu.memory_space<vmem>>, vector<32768xf32>,
    %get3A_160 = arith.constant 27 : index
    %get3A_161 = arith.constant 0 : index
    %get3A_162 = vector.load %arg1[%get3A_160, %get3A_161] : memref<32x32768xf32, #tpu.memory_space<vmem>>, vector<1x32768xf32>
    %get3A_163 = vector.shape_cast %get3A_162 : vector<1x32768xf32> to vector<32768xf32>
    %swap3A_164 = arith.constant 884736 : index
    %swap3A_165 = vector.load %arg2[%swap3A_164] : memref<1048576xf32, #tpu.memory_space<vmem>>, vector<32768xf32>
    tpu.vector_store %arg2[%swap3A_164], %get3A_163 {strides = array<i32>} : memref<1048576xf32, #tpu.memory_space<vmem>>, vector<32768xf32>,
    %get3A_166 = arith.constant 28 : index
    %get3A_167 = arith.constant 0 : index
    %get3A_168 = vector.load %arg1[%get3A_166, %get3A_167] : memref<32x32768xf32, #tpu.memory_space<vmem>>, vector<1x32768xf32>
    %get3A_169 = vector.shape_cast %get3A_168 : vector<1x32768xf32> to vector<32768xf32>
    %swap3A_170 = arith.constant 917504 : index
    %swap3A_171 = vector.load %arg2[%swap3A_170] : memref<1048576xf32, #tpu.memory_space<vmem>>, vector<32768xf32>
    tpu.vector_store %arg2[%swap3A_170], %get3A_169 {strides = array<i32>} : memref<1048576xf32, #tpu.memory_space<vmem>>, vector<32768xf32>,
    %get3A_172 = arith.constant 29 : index
    %get3A_173 = arith.constant 0 : index
    %get3A_174 = vector.load %arg1[%get3A_172, %get3A_173] : memref<32x32768xf32, #tpu.memory_space<vmem>>, vector<1x32768xf32>
    %get3A_175 = vector.shape_cast %get3A_174 : vector<1x32768xf32> to vector<32768xf32>
    %swap3A_176 = arith.constant 950272 : index
    %swap3A_177 = vector.load %arg2[%swap3A_176] : memref<1048576xf32, #tpu.memory_space<vmem>>, vector<32768xf32>
    tpu.vector_store %arg2[%swap3A_176], %get3A_175 {strides = array<i32>} : memref<1048576xf32, #tpu.memory_space<vmem>>, vector<32768xf32>,
    %get3A_178 = arith.constant 30 : index
    %get3A_179 = arith.constant 0 : index
    %get3A_180 = vector.load %arg1[%get3A_178, %get3A_179] : memref<32x32768xf32, #tpu.memory_space<vmem>>, vector<1x32768xf32>
    %get3A_181 = vector.shape_cast %get3A_180 : vector<1x32768xf32> to vector<32768xf32>
    %swap3A_182 = arith.constant 983040 : index
    %swap3A_183 = vector.load %arg2[%swap3A_182] : memref<1048576xf32, #tpu.memory_space<vmem>>, vector<32768xf32>
    tpu.vector_store %arg2[%swap3A_182], %get3A_181 {strides = array<i32>} : memref<1048576xf32, #tpu.memory_space<vmem>>, vector<32768xf32>,
    %get3A_184 = arith.constant 31 : index
    %get3A_185 = arith.constant 0 : index
    %get3A_186 = vector.load %arg1[%get3A_184, %get3A_185] : memref<32x32768xf32, #tpu.memory_space<vmem>>, vector<1x32768xf32>
    %get3A_187 = vector.shape_cast %get3A_186 : vector<1x32768xf32> to vector<32768xf32>
    %swap3A_188 = arith.constant 1015808 : index
    %swap3A_189 = vector.load %arg2[%swap3A_188] : memref<1048576xf32, #tpu.memory_space<vmem>>, vector<32768xf32>
    tpu.vector_store %arg2[%swap3A_188], %get3A_187 {strides = array<i32>} : memref<1048576xf32, #tpu.memory_space<vmem>>, vector<32768xf32>,
    return
  }
  func.func @transform_0(%arg0: i32) -> (i32, i32) {
    %c0_i32 = arith.constant 0 : i32
    %c0_i32_0 = arith.constant 0 : i32
    return %c0_i32, %arg0 : i32, i32
  }
  func.func @transform_1(%arg0: i32) -> i32 {
    %c0_i32 = arith.constant 0 : i32
    return %arg0 : i32
  }
}

module attributes {stable_mosaic.version = 14 : i64} {
  func.func @body(%arg0: memref<128x128xf32, #tpu.memory_space<vmem>>, %arg1: memref<1x1xf32, #tpu.memory_space<smem>>) attributes {dimension_semantics = [], scalar_prefetch = 0 : i64, scratch_operands = 0 : i64, tpu.core_type = #tpu.core_type<tc>} {
    %get3A = arith.constant 0 : index
    %get3A_0 = arith.constant 0 : index
    %get3A_1 = vector.load %arg0[%get3A, %get3A_0] : memref<128x128xf32, #tpu.memory_space<vmem>>, vector<128x128xf32>
    %neg3A = arith.constant 0.000000e+00 : f32
    %neg3A_2 = vector.broadcast %neg3A : f32 to vector<128x128xf32>
    %neg3A_3 = arith.subf %neg3A_2, %get3A_1 : vector<128x128xf32>
    %max3A = arith.constant 0.000000e+00 : f32
    %max3A_4 = vector.broadcast %max3A : f32 to vector<128x128xf32>
    %max3A_5 = arith.maximumf %neg3A_3, %max3A_4 : vector<128x128xf32>
    %abs3A = math.absf %get3A_1 : vector<128x128xf32>
    %neg3A_6 = arith.constant 0.000000e+00 : f32
    %neg3A_7 = vector.broadcast %neg3A_6 : f32 to vector<128x128xf32>
    %neg3A_8 = arith.subf %neg3A_7, %abs3A : vector<128x128xf32>
    %exp3A = math.exp %neg3A_8 : vector<128x128xf32>
    %add3A = arith.constant 1.000000e+00 : f32
    %add3A_9 = vector.broadcast %add3A : f32 to vector<128x128xf32>
    %add3A_10 = arith.addf %add3A_9, %exp3A : vector<128x128xf32>
    %log3A = math.log %add3A_10 : vector<128x128xf32>
    %add3A_11 = arith.addf %max3A_5, %log3A : vector<128x128xf32>
    %reduce_sum3A = vector.shape_cast %add3A_11 : vector<128x128xf32> to vector<1x128x128xf32>
    %reduce_sum3A_12 = arith.constant dense<0.000000e+00> : vector<1xf32>
    %reduce_sum3A_13 = vector.multi_reduction <add>, %reduce_sum3A, %reduce_sum3A_12 [1, 2] : vector<1x128x128xf32> to vector<1xf32>
    %reduce_sum3A_14 = vector.shape_cast %reduce_sum3A_13 : vector<1xf32> to vector<1x1x1xf32>
    %reduce_sum3A_15 = vector.extract %reduce_sum3A_14[0, 0, 0] : f32 from vector<1x1x1xf32>
    %swap3A = arith.constant 0 : index
    %swap3A_16 = arith.constant 0 : index
    %swap3A_17 = memref.load %arg1[%swap3A, %swap3A_16] : memref<1x1xf32, #tpu.memory_space<smem>>
    memref.store %reduce_sum3A_15, %arg1[%swap3A, %swap3A_16] : memref<1x1xf32, #tpu.memory_space<smem>>
    return
  }
}

</mosaic_0001>

<sc_bundles>
// kernel: kernel.6.cloned.1.call-start
scs
__scs_entry_jumppad:
0x0: {  	(pc) =	sbr.rel $0x88, $3  }
0x1: {  	(tag) =	ssettag $0x0;
	lr =	simm.s32 $0x1  }
0x2: {  	[smem:$0x3F9C] =	sst lr;
	_ =	strace $0xD0000000  }
0x3: {  	_ = 	snop  }
0x4: {  	_ = 	snop  }
0x5: {  	_ = 	snop  }
0x6: {  	_ = 	snop  }
0x7: {  	_ = 	snop  }
__scs_overlays_trampoline_lowered:
0x8: {  	[smem:$0x3FAB] =	sst s0  }
0x9: {  	[smem:$0x3FAC] =	sst s1  }
0xa: {  	[smem:$0x3FAD] =	sst s2  }
0xb: {  	[smem:$0x3FAE] =	sst s3  }
0xc: {  	[smem:$0x3FAF] =	sst s4  }
0xd: {  	[smem:$0x3FB0] =	sst s5  }
0xe: {  	[smem:$0x3FB1] =	sst s6  }
0xf: {  	[smem:$0x3FB2] =	sst s7  }
0x10: {  	[smem:$0x3FB3] =	sst s8  }
0x11: {  	[smem:$0x3FB4] =	sst s9;
	s0 =	simm.s32 @!p0 $0x0  }
0x12: {  	s1 =	sld [smem:$0x3F9A];
	s0 =	simm.s32 @p0 $0x1  }
0x13: {  	[smem:$0x3FB5] =	sst s0;
	s0 =	simm.s32 @!p1 $0x0  }
0x14: {  	s2 =	sld [smem:$0x3F99];
	s0 =	simm.s32 @p1 $0x1  }
0x15: {  	[smem:$0x3FB6] =	sst s0;
	s0 =	simm.s32 @!p2 $0x0  }
0x16: {  	s3 =	sld [smem:$0x3FDB];
	s0 =	simm.s32 @p2 $0x1  }
0x17: {  	s4 =	simm.s32 $0x1BF5;
	[smem:$0x3FB8] =	sst s0  }
0x18: {  	s0 =	sld [smem:$0x3F9B];
	_ =	swait.ge [sflag:s4], $0x0  }
0x19: {  	s7 =	sld [smem:$0x3F9C]  }
0x1a: {  	s8 =	sadd.s32 $0xFFFFE003, lr  }
0x1b: {  	s9 =	sadd.s32 $0xFFFFFEF7, lr;
	s5 =	simm.s32 $0xFFFFFFFF;
	p2 =	slt.u32 s8, $0xFFFFF086  }
0x1c: {  	p1 =	slt.u32 s9, $0xF7A;
	s5 =	simm.s32 @!p2 $0x0  }
0x1d: {  	s5 =	simm.s32 @p1 $0x1;
	p0 =	seq.s32 s7, s2  }
0x1e: {  	s7 =	smul.u32 @!p0 $0xF7A, s2;
	p2 =	seq.s32 @!p0 s5, $0x0  }
0x1f: {  	s9 =	smul.u32 $0xF7A, s1;
	s8 =	simm.s32 @!p0 $0x1BF5;
	p2 =	por !p2, p0  }
0x20: {  	[sflag:s8] =	ssyncset.s32 @!p0 $0xFFFFF086;
	s6 =	sadd.s32 @!p0 s3, s7;
	s7 =	simm.s32 @!p0 $0x108  }
0x21: {  	s3 =	sadd.s32 s3, s9;
	s6 =	sadd.s32 @!p0 $0x88, s6;
	s7 =	simm.s32 @p2 $0x1082  }
0x22: {  	[simem:s7], [sflag:s8] =	dma.local @!p0 [hbm:s6], $0xF7A  }
0x23: {  	s9 =	sor.u32 $0xD0000000, s2;
	s6 =	simm.s32 $0x108;
	_ =	swait.ge @!p0 [sflag:s8], $0x0  }
0x24: {  	s3 =	sadd.s32 $0x88, s3;
	s6 =	simm.s32 @!p1 $0x1082;
	[sflag:s4] =	ssyncset.s32 $0xFFFFF086  }
0x25: {  	[simem:s6], [sflag:s4] =	dma.local [hbm:s3], $0xF7A  }
0x26: {  	[smem:$0x3F9C] =	sst s1;
	(tag) =	ssettag s2;
	_ =	strace s9  }
0x27: {  	s1 =	sld [smem:$0x3FAC]  }
0x28: {  	s2 =	sld [smem:$0x3FAD]  }
0x29: {  	s4 =	sld [smem:$0x3FAF]  }
0x2a: {  	p0 =	seq.s32 s5, $0x0;
	s5 =	sld [smem:$0x3FB0]  }
0x2b: {  	s6 =	sld [smem:$0x3FB1]  }
0x2c: {  	s7 =	sld [smem:$0x3FB2]  }
0x2d: {  	s3 =	simm.s32 $0x108;
	s8 =	sld [smem:$0x3FB3]  }
0x2e: {  	s3 =	simm.s32 @!p0 $0x1082;
	s9 =	sld [smem:$0x3FB4]  }
0x2f: {  	lr =	sadd.s32 s0, s3;
	s0 =	sld [smem:$0x3FAB]  }
0x30: {  	s3 =	sld [smem:$0x3FAE]  }
0x31: {  	[smem:$0x3FB7] =	sst s10  }
0x32: {  	s10 =	sld [smem:$0x3FB5];
	_ =	sdelay $0x3  }
0x33: {  	p0 =	seq.s32 s10, $0x1;
	s10 =	sld [smem:$0x3FB7];
	_ =	sdelay $0x3  }
0x34: {  	[smem:$0x3FB7] =	sst s10  }
0x35: {  	s10 =	sld [smem:$0x3FB6];
	_ =	sdelay $0x3  }
0x36: {  	p1 =	seq.s32 s10, $0x1;
	s10 =	sld [smem:$0x3FB7];
	_ =	sdelay $0x3  }
0x37: {  	[smem:$0x3FB7] =	sst s10  }
0x38: {  	s10 =	sld [smem:$0x3FB8]  }
0x39: {  	_ = 	snop;
	(pc) =	sbr.ind lr, $3  }
0x3a: {  	_ = 	snop  }
0x3b: {  	_ = 	snop  }
0x3c: {  	p2 =	seq.s32 s10, $0x1;
	s10 =	sld [smem:$0x3FB7]  }
0x3d: {  	_ =	shalt  }
0x3e: {  	_ =	shalt  }
0x3f: {  	_ =	shalt  }
0x40: {  	_ =	shalt  }
0x41: {  	_ =	shalt  }
0x42: {  	_ =	shalt  }
0x43: {  	_ =	shalt  }
0x44: {  	_ =	shalt  }
0x45: {  	_ =	shalt  }
0x46: {  	_ =	shalt  }
0x47: {  	_ =	shalt  }
0x48: {  	_ =	shalt  }
0x49: {  	_ =	shalt  }
0x4a: {  	_ =	shalt  }
0x4b: {  	_ =	shalt  }
0x4c: {  	_ =	shalt  }
0x4d: {  	_ =	shalt  }
0x4e: {  	_ =	shalt  }
0x4f: {  	_ =	shalt  }
0x50: {  	_ =	shalt  }
0x51: {  	_ =	shalt  }
0x52: {  	_ =	shalt  }
0x53: {  	_ =	shalt  }
0x54: {  	_ =	shalt  }
0x55: {  	_ =	shalt  }
0x56: {  	_ =	shalt  }
0x57: {  	_ =	shalt  }
0x58: {  	_ =	shalt  }
0x59: {  	_ =	shalt  }
0x5a: {  	_ =	shalt  }
0x5b: {  	_ =	shalt  }
0x5c: {  	_ =	shalt  }
0x5d: {  	_ =	shalt  }
0x5e: {  	_ =	shalt  }
0x5f: {  	_ =	shalt  }
0x60: {  	_ =	shalt  }
0x61: {  	_ =	shalt  }
0x62: {  	_ =	shalt  }
0x63: {  	_ =	shalt  }
0x64: {  	_ =	shalt  }
0x65: {  	_ =	shalt  }
0x66: {  	_ =	shalt  }
0x67: {  	_ =	shalt  }
0x68: {  	_ =	shalt  }
0x69: {  	_ =	shalt  }
0x6a: {  	_ =	shalt  }
0x6b: {  	_ =	shalt  }
0x6c: {  	_ =	shalt  }
0x6d: {  	_ =	shalt  }
0x6e: {  	_ =	shalt  }
0x6f: {  	_ =	shalt  }
0x70: {  	_ =	shalt  }
0x71: {  	_ =	shalt  }
0x72: {  	_ =	shalt  }
0x73: {  	_ =	shalt  }
0x74: {  	_ =	shalt  }
0x75: {  	_ =	shalt  }
0x76: {  	_ =	shalt  }
0x77: {  	_ =	shalt  }
0x78: {  	_ =	shalt  }
0x79: {  	_ =	shalt  }
0x7a: {  	_ =	shalt  }
0x7b: {  	_ =	shalt  }
0x7c: {  	_ =	shalt  }
0x7d: {  	_ =	shalt  }
0x7e: {  	_ =	shalt  }
0x7f: {  	_ =	shalt  }
0x80: {  	_ =	shalt  }
0x81: {  	_ =	shalt  }
0x82: {  	_ =	shalt  }
0x83: {  	_ =	shalt  }
0x84: {  	_ =	shalt  }
0x85: {  	_ =	shalt  }
0x86: {  	_ =	shalt  }
0x87: {  	_ =	shalt  }
.Lfunc_end0:
.L_simem_size_0:
called_computation_lowered:
.L_overlay_start_0:
0x88: {  	s2 =	sld [smem:$0x3FD9]  }
0x89: {  	s3 =	sld [smem:$0x3FFE];
	_ =	sdelay $0x1  }
0x8a: {  	s1 =	srdreg.scid  }
0x8b: {  	s0 =	sand.u32 $0x1, s1  }
0x8c: {  	s17 =	sshll.u32 s0, $0xA;
	s2 =	sadd.s32 s3, s2  }
0x8d: {  	s2 =	sadd.s32 s2, s17  }
0x8e: {  	[smem:$0x3FC3] =	sst s2  }
0x8f: {  	_ = 	snop  }
0x90: {  	s2 =	sld [smem:$0x3FC9]  }
0x91: {  	s18 =	sld [smem:$0x3FC8]  }
0x92: {  	s4 =	sld [smem:$0x3FC7];
	(tm) =	ssettm $0x1  }
0x93: {  	s5 =	sld [smem:$0x3FFB];
	_ =	sdelay $0x3  }
0x94: {  	_ =	strace s5  }
0x95: {  	s5 =	sld [smem:$0x3FFC];
	_ =	sdelay $0x3  }
0x96: {  	_ =	strace s5  }
0x97: {  	s5 =	sld [smem:$0x3FFD];
	_ =	sdelay $0x3  }
0x98: {  	_ =	strace s5  }
0x99: {  	_ =	strace $0x8FFFFFFF  }
0x9a: {  	s19 =	sld [smem:$0x3FDB];
	_ =	sdelay $0x1  }
0x9b: {  	s6 =	simm.s32 $_scs_section_size  }
0x9c: {  	s7 =	simm.s32 $_size__tile_overlayer_lowered;
	s8 =	simm.s32 $_tile_overlayer_lowered  }
0x9d: {  	s22 =	simm.s32 $0x1BFF;
	s21 =	sshll.u32 s8, $0x1;
	s5 =	sadd.s32 s6, s19  }
0x9e: {  	s9 =	simm.s32 $0x0;
	s20 =	sshll.u32 s7, $0x1;
	s7 =	sadd.s32 s21, s5  }
0x9f: {  	[timem:s9], [sflag:s22] =	dma.local [hbm:s7], s20  }
0xa0: {  	_ =	swait.ge [sflag:s22], s20  }
0xa1: {  	s6 =	ssub.s32 $0x0, s20;
	[sflag:s22] =	ssyncset.done $0x0  }
0xa2: {  	[sflag:s22] =	ssyncadd.s32 s6;
	_ =	sdelay $0x1  }
0xa3: {  	s23 =	simm.s32 $0x1B8B  }
0xa4: {  	_ =	swait.ge [sflag:s23], $0x1  }
0xa5: {  	[sflag:s23] =	ssyncset.done $0x0  }
0xa6: {  	s25 =	simm.s32 $0x1B8E;
	s24 =	sld [smem:$0x3FFE];
	[sflag:s23] =	ssyncadd.s32 $0xFFFFFFFF  }
0xa7: {  	s26 =	simm.s32 $execute0_lowered;
	[smem:$0x3FD2] =	sst s25  }
0xa8: {  	s7 =	sshll.u32 s26, $0x1;
	_ =	strace $0x80000046;
	[dreg:$0x1] =	wrdreg $0xFFFFFFFF  }
0xa9: {  	s28 =	simm.s32 $_size_execute0_lowered;
	s5 =	sadd.s32 s5, s7;
	[dreg:$0x0] =	wrdreg $0x0  }
0xaa: {  	s7 =	sshll.u32 s28, $0x1;
	[dreg:$0x2] =	wrdreg s5  }
0xab: {  	[dreg:$0x3] =	wrdreg s7  }
0xac: {  	[dreg:$0x4] =	wrdreg $0xC0  }
0xad: {  	_ =	task [dreg:s9], $0x5FFFF  }
0xae: {  	[dreg:$0x1] =	wrdreg $0xFFFFFFFF  }
0xaf: {  	[dreg:$0x0] =	wrdreg $0x60  }
0xb0: {  	[dreg:$0x2] =	wrdreg s2  }
0xb1: {  	[dreg:$0x3] =	wrdreg s18  }
0xb2: {  	[dreg:$0x4] =	wrdreg s4  }
0xb3: {  	[dreg:$0x5] =	wrdreg s24  }
0xb4: {  	[dreg:$0x6] =	wrdreg $0x9  }
0xb5: {  	_ =	task.clear_ibuf [dreg:s9], $0x7FFFF;
	_ =	strace $0x90000046  }
0xb6: {  	s29 =	simm.s32 $0x9;
	_ =	strace $0x80000048  }
0xb7: {  	_ =	swait.ge [sflag:s29], $0x1  }
0xb8: {  	[sflag:s29] =	ssyncadd.s32 $0xFFFFFFFF  }
0xb9: {  	_ =	strace $0x90000048  }
0xba: {  	_ =	sfence  }
0xbb: {  	s30 =	sld [smem:$0x0];
	_ =	sdelay $0x2  }
0xbc: {  	s31 =	sshll.u32 s1, $0xD;
	s1 =	sshrl.u32 s1, $0x2  }
0xbd: {  	s3 =	sand.u32 $0x4000, s31;
	s1 =	sadd.s32 s1, s30  }
0xbe: {  	s0 =	sor.u32 s3, s0;
	s1 =	sshll.u32 s1, $0x11  }
0xbf: {  	s0 =	sor.u32 s1, s0  }
0xc0: {  	s0 =	sadd.s32 $0x8F2B, s0  }
0xc1: {  	[sflag:s0] =	ssyncadd.remote.s32 $0x1  }
0xc2: {  	_ =	sfence.sel $0xFFFF  }
0xc3: {  	[dreg:$0x0] =	wrdreg $0xFFFFFFFF;
	(pc) =	sbr.abs _section_cstart, $3  }
0xc4: {  	[dreg:$0x1] =	wrdreg $0xFFFFFFFF  }
0xc5: {  	_ =	task.clear_ibuf [dreg:s9], $0x2FFFF;
	_ =	strace $0x9FFFFFFF  }
0xc6: {  	(tm) =	ssettm $0x7FFFFFFF  }
0xc7: {  	_ =	shalt  }
tec
execute0_lowered:
.L_overlay_start_1:
0x0: {  	(tag) =	ssettag $0x1  }
0x1: {  	s5 =	rddreg [dreg:$0x0]  }
0x2: {  	s6 =	rddreg [dreg:$0x1]  }
0x3: {  	s7 =	rddreg [dreg:$0x2]  }
0x4: {  	s8 =	rddreg [dreg:$0x3]  }
0x5: {  	s0 =	rddreg [dreg:$0x4];
	s2 =	simm.s32 $0x0;
	s3 =	srdreg.scid  }
0x6: {  	s1 =	stileid.u32;
	s12 =	simm.s32 $0x400;
	s13 =	simm.s32 $0x1  }
0x7: {  	s14 =	simm.s32 $0x18600;
	s15 =	simm.s32 $0x0;
	[smem:$0x7FF] =	sst s2  }
0x8: {  	s4 =	sand.u32 $0x1, s3;
	s9 =	sshll.u32 s1, $0x7;
	s3 =	sadd.s32 $0x600, s8  }
0x9: {  	_ =	strace $0x80000047;
	s10 =	sshll.u32 s4, $0x6;
	s31 =	ssub.s32 $0x2, s4  }
0xa: {  	s4 =	sadd.s32 $0x3E0600, s8;
	s9 =	sor.u32 s10, s9;
	s11 =	sshrl.u32 s31, $0x1  }
0xb: {  	s8 =	sadd.s32 s9, s8;
	s10 =	ssub.s32 s31, s11;
	s5 =	sadd.s32 s5, s9  }
0xc: {  	s6 =	sadd.s32 s6, s9;
	s7 =	sadd.s32 s7, s9;
	s11 =	simm.s32 $0x200  }
0xd: {  	s8 =	sadd.s32 $0x7C0600, s8;
	s9 =	smax.u32 s10, $0x1;
	s10 =	simm.s32 $0x2  }
.LBB2_1:
0xe: {  	[tilespmem:s2], [sflag:$0x2] =	stream.linear.gather [hbm4b:s5+s2], $0x200, $0x38;
	[tilespmem:$0x18800] =	vst v63  }
0xf: {  	_ =	swait.ge [sflag:s10], $0x200  }
0x10: {  	[sflag:s10] =	ssyncset.done $0x0  }
0x11: {  	[sflag:s10] =	ssyncadd.s32 $0xFFFFFE00  }
0x12: {  	[tilespmem:s11], [sflag:$0x2] =	stream.linear.gather [hbm4b:s6+s2], $0x200, $0x38;
	[tilespmem:$0x18800] =	vst v63  }
0x13: {  	_ =	swait.ge [sflag:s10], $0x200  }
0x14: {  	[sflag:s10] =	ssyncset.done $0x0  }
0x15: {  	[sflag:s10] =	ssyncadd.s32 $0xFFFFFE00  }
0x16: {  	[tilespmem:s12], [sflag:$0x2] =	stream.linear.gather [hbm4b:s7+s2], $0x200, $0x38;
	[tilespmem:$0x18800] =	vst v63  }
0x17: {  	_ =	swait.ge [sflag:s10], $0x200  }
0x18: {  	s16 =	simm.s32 $0x600;
	s17 =	simm.s32 $0x4600;
	[sflag:s10] =	ssyncset.done $0x0  }
0x19: {  	s18 =	simm.s32 $0x8600;
	s19 =	simm.s32 $0x0;
	[sflag:s10] =	ssyncadd.s32 $0xFFFFFE00  }
.LBB2_2:
0x1a: {  	s21 =	simm.s32 $0x0  }
0x1b: {  	v0 =	vld [tilespmem:s21+$0x0];
	_ =	sdelay $0x3  }
0x1c: {  	v1 =	vmov s16  }
0x1d: {  	v2 =	vshll.u32 v0, $0x5  }
0x1e: {  	s20 =	sshll.u32 s19, $0xF;
	v3 =	vand.u32 $0x7FFF, v0;
	v2 =	vand.u32 $0xFFF00000, v2  }
0x1f: {  	v0 =	vmov s20;
	v2 =	vor.u32 v2, v3  }
0x20: {  	v2 =	vor.u32 v0, v2  }
0x21: {  	[tilespmem:v1+s21+$0x0 ss:$0x1] =	vst.idx.msk $0xffff, v2  }
0x22: {  	v3 =	vld [tilespmem:s21+$0x200];
	_ =	sdelay $0x3  }
0x23: {  	v2 =	vmov s17  }
0x24: {  	v4 =	vshll.u32 v3, $0x5  }
0x25: {  	v3 =	vand.u32 $0x7FFF, v3;
	v4 =	vand.u32 $0xFFF00000, v4  }
0x26: {  	v3 =	vor.u32 v4, v3  }
0x27: {  	v3 =	vor.u32 v0, v3  }
0x28: {  	[tilespmem:v2+s21+$0x0 ss:$0x1] =	vst.idx.msk $0xffff, v3  }
0x29: {  	v3 =	vld [tilespmem:s21+$0x400];
	_ =	sdelay $0x4  }
0x2a: {  	v4 =	vshll.u32 v3, $0x5  }
0x2b: {  	v3 =	vand.u32 $0x7FFF, v3;
	v4 =	vand.u32 $0xFFF00000, v4  }
0x2c: {  	v4 =	vor.u32 v4, v3;
	v3 =	vmov s18;
	_ =	sdelay $0x2  }
0x2d: {  	s22 =	simm.s32 $0x40;
	s23 =	simm.s32 $0x80;
	s20 =	sshll.u32 s19, $0x9;
	v4 =	vor.u32 v0, v4  }
.LBB2_3:
0x2e: {  	p0 =	sne.s32 s23, $0x7C0  }
0x2f: {  	[tilespmem:v3+s21+$0x0 ss:$0x1] =	vst.idx.msk $0xffff, v4;
	s21 =	sshra.s32 s22, $0x2;
	s22 =	smov.u32 s23;
	s23 =	sadd.s32 $0x40, s23  }
0x30: {  	v4 =	vld [tilespmem:s21+$0x0];
	_ =	sdelay $0x4  }
0x31: {  	v5 =	vshll.u32 v4, $0x5  }
0x32: {  	v4 =	vand.u32 $0x7FFF, v4;
	v5 =	vand.u32 $0xFFF00000, v5  }
0x33: {  	v4 =	vor.u32 v5, v4  }
0x34: {  	v4 =	vor.u32 v0, v4  }
0x35: {  	[tilespmem:v1+s21+$0x0 ss:$0x1] =	vst.idx.msk $0xffff, v4  }
0x36: {  	v4 =	vld [tilespmem:s21+$0x200];
	_ =	sdelay $0x4  }
0x37: {  	v5 =	vshll.u32 v4, $0x5  }
0x38: {  	v4 =	vand.u32 $0x7FFF, v4;
	v5 =	vand.u32 $0xFFF00000, v5  }
0x39: {  	v4 =	vor.u32 v5, v4  }
0x3a: {  	v4 =	vor.u32 v0, v4  }
0x3b: {  	[tilespmem:v2+s21+$0x0 ss:$0x1] =	vst.idx.msk $0xffff, v4  }
0x3c: {  	v4 =	vld [tilespmem:s21+$0x400];
	_ =	sdelay $0x3  }
.Ltmp0:
0x3d: {  	(pc) =	sbr.rel @p0 .LBB2_3-.Ltmp0, $4  }
0x3e: {  	v5 =	vshll.u32 v4, $0x5  }
0x3f: {  	v4 =	vand.u32 $0x7FFF, v4;
	v5 =	vand.u32 $0xFFF00000, v5  }
0x40: {  	v4 =	vor.u32 v5, v4  }
0x41: {  	v4 =	vor.u32 v0, v4  }
0x42: {  	_ =	sdelay $0x3  }
0x43: {  	s22 =	sshra.s32 s22, $0x2;
	[tilespmem:v3+s21+$0x0 ss:$0x1] =	vst.idx.msk $0xffff, v4  }
0x44: {  	v4 =	vld [tilespmem:s22+$0x0];
	_ =	sdelay $0x4  }
0x45: {  	v5 =	vshll.u32 v4, $0x5  }
0x46: {  	v4 =	vand.u32 $0x7FFF, v4;
	v5 =	vand.u32 $0xFFF00000, v5  }
0x47: {  	v4 =	vor.u32 v5, v4  }
0x48: {  	v4 =	vor.u32 v0, v4  }
0x49: {  	[tilespmem:v1+s22+$0x0 ss:$0x1] =	vst.idx.msk $0xffff, v4  }
0x4a: {  	v1 =	vld [tilespmem:s22+$0x200];
	_ =	sdelay $0x4  }
0x4b: {  	v61 =	vshll.u32 v1, $0x5  }
0x4c: {  	v1 =	vand.u32 $0x7FFF, v1;
	v4 =	vand.u32 $0xFFF00000, v61  }
0x4d: {  	v1 =	vor.u32 v4, v1  }
0x4e: {  	v1 =	vor.u32 v0, v1  }
0x4f: {  	[tilespmem:v2+s22+$0x0 ss:$0x1] =	vst.idx.msk $0xffff, v1  }
0x50: {  	v1 =	vld [tilespmem:s22+$0x400];
	_ =	sdelay $0x4  }
0x51: {  	v62 =	vshll.u32 v1, $0x5  }
0x52: {  	v1 =	vand.u32 $0x7FFF, v1;
	v2 =	vand.u32 $0xFFF00000, v62  }
0x53: {  	v1 =	vor.u32 v2, v1  }
0x54: {  	s19 =	sadd.s32 $0x1, s19;
	v63 =	vor.u32 v0, v1  }
0x55: {  	s25 =	sadd.s32 $0xC600, s20;
	s26 =	sadd.s32 $0x600, s20;
	p0 =	sne.s32 s19, $0x20;
	[tilespmem:v3+s22+$0x0 ss:$0x1] =	vst.idx.msk $0xffff, v63  }
0x56: {  	[tilespmem:s25], [sflag:$0x1] =	stream.indirect.gather [hbm4b:s3+s11], $0x1, s26, s11, $0xb8;
	[tilespmem:$0x18800] =	vst v63  }
.Ltmp1:
0x57: {  	s28 =	sadd.s32 $0x10600, s20;
	(pc) =	sbr.rel @p0 .LBB2_2-.Ltmp1, $4  }
0x58: {  	s29 =	sadd.s32 $0x4600, s20;
	s30 =	sadd.s32 $0x14600, s20;
	s31 =	sadd.s32 $0x8600, s20  }
0x59: {  	[tilespmem:s28], [sflag:$0x1] =	stream.indirect.gather [hbm4b:s4+s11], $0x1, s29, s11, $0xb8;
	[tilespmem:$0x18800] =	vst v63  }
0x5a: {  	s16 =	sadd.s32 $0x200, s16;
	s17 =	sadd.s32 $0x200, s17;
	s18 =	sadd.s32 $0x200, s18  }
0x5b: {  	[tilespmem:s30], [sflag:$0x1] =	stream.indirect.gather [hbm4b:s4+s11], $0x1, s31, s11, $0xb8;
	[tilespmem:$0x18800] =	vst v63  }
0x5c: {  	_ =	swait.ge [sflag:s13], $0x200  }
0x5d: {  	[sflag:s13] =	ssyncset.done $0x0  }
0x5e: {  	[sflag:s13] =	ssyncadd.s32 $0xFFFFFE00  }
0x5f: {  	_ =	swait.ge [sflag:s13], $0x200  }
0x60: {  	[sflag:s13] =	ssyncset.done $0x0  }
0x61: {  	[sflag:s13] =	ssyncadd.s32 $0xFFFFFE00  }
0x62: {  	_ =	swait.ge [sflag:s13], $0x200  }
0x63: {  	s16 =	simm.s32 $0x1F;
	[sflag:s13] =	ssyncset.done $0x0  }
.LBB2_6:
0x64: {  	p0 =	sne.s32 s16, $0x1;
	s16 =	sadd.s32 $0xFFFFFFFF, s16;
	[sflag:s13] =	ssyncadd.s32 $0xFFFFFE00  }
0x65: {  	_ =	swait.ge [sflag:s13], $0x200  }
0x66: {  	[sflag:s13] =	ssyncset.done $0x0  }
0x67: {  	[sflag:s13] =	ssyncadd.s32 $0xFFFFFE00  }
.Ltmp2:
0x68: {  	_ =	swait.ge [sflag:s13], $0x200;
	(pc) =	sbr.rel @p0 .LBB2_6-.Ltmp2, $4  }
0x69: {  	[sflag:s13] =	ssyncset.done $0x0  }
0x6a: {  	[sflag:s13] =	ssyncadd.s32 $0xFFFFFE00  }
0x6b: {  	_ =	swait.ge [sflag:s13], $0x200  }
0x6c: {  	[sflag:s13] =	ssyncset.done $0x0  }
0x6d: {  	[sflag:s13] =	ssyncadd.s32 $0xFFFFFE00;
	s16 =	simm.s32 $0x0  }
0x6e: {  	v0 =	vld [tilespmem:s16+$0x10400]  }
0x6f: {  	v2 =	vld [tilespmem:s16+$0x10200]  }
0x70: {  	v1 =	vld [tilespmem:s16+$0x10000]  }
0x71: {  	v3 =	vld [tilespmem:s16+$0xFE00]  }
0x72: {  	v4 =	vld [tilespmem:s16+$0xFC00]  }
0x73: {  	v5 =	vld [tilespmem:s16+$0xFA00]  }
0x74: {  	v6 =	vld [tilespmem:s16+$0xF800]  }
0x75: {  	v7 =	vld [tilespmem:s16+$0xF600]  }
0x76: {  	v8 =	vld [tilespmem:s16+$0xF400]  }
0x77: {  	v9 =	vld [tilespmem:s16+$0xF200]  }
0x78: {  	v10 =	vld [tilespmem:s16+$0xF000]  }
0x79: {  	v11 =	vld [tilespmem:s16+$0xEE00]  }
0x7a: {  	v12 =	vld [tilespmem:s16+$0xEC00]  }
0x7b: {  	v13 =	vld [tilespmem:s16+$0xEA00]  }
0x7c: {  	v14 =	vld [tilespmem:s16+$0xE800]  }
0x7d: {  	v15 =	vld [tilespmem:s16+$0xE600]  }
0x7e: {  	v16 =	vld [tilespmem:s16+$0xE400]  }
0x7f: {  	v17 =	vld [tilespmem:s16+$0xE200]  }
0x80: {  	v18 =	vld [tilespmem:s16+$0xE000]  }
0x81: {  	v19 =	vld [tilespmem:s16+$0xDE00]  }
0x82: {  	v20 =	vld [tilespmem:s16+$0xDC00]  }
0x83: {  	v21 =	vld [tilespmem:s16+$0xDA00]  }
0x84: {  	v22 =	vld [tilespmem:s16+$0xD800]  }
0x85: {  	v23 =	vld [tilespmem:s16+$0xD600]  }
0x86: {  	v24 =	vld [tilespmem:s16+$0xD400]  }
0x87: {  	v25 =	vld [tilespmem:s16+$0xD200]  }
0x88: {  	v26 =	vld [tilespmem:s16+$0xD000]  }
0x89: {  	v27 =	vld [tilespmem:s16+$0xCE00]  }
0x8a: {  	v28 =	vld [tilespmem:s16+$0xCC00]  }
0x8b: {  	v29 =	vld [tilespmem:s16+$0xCA00]  }
0x8c: {  	v30 =	vld [tilespmem:s16+$0xC800]  }
0x8d: {  	v31 =	vld [tilespmem:s16+$0xC600]  }
0x8e: {  	s17 =	simm.s32 $0x40;
	v32 =	vld [tilespmem:s16+$0x10600]  }
.LBB2_8:
0x8f: {  	p0 =	sne.s32 s17, $0x7C0;
	v33 =	vld [tilespmem:s16+$0x14600]  }
0x90: {  	v34 =	vld [tilespmem:s16+$0x10800]  }
0x91: {  	v35 =	vld [tilespmem:s16+$0x14800]  }
0x92: {  	v36 =	vld [tilespmem:s16+$0x10A00]  }
0x93: {  	v37 =	vld [tilespmem:s16+$0x14A00]  }
0x94: {  	v32 =	vmul.f32 v32, v31;
	v31 =	vmul.f32 v33, v31;
	v33 =	vld [tilespmem:s16+$0x10C00]  }
0x95: {  	v34 =	vmul.f32 v34, v30;
	v38 =	vld [tilespmem:s16+$0x14C00]  }
0x96: {  	v32 =	vadd.f32 $0.0e+00, v32;
	v31 =	vadd.f32 $0.0e+00, v31;
	v30 =	vmul.f32 v35, v30;
	v35 =	vld [tilespmem:s16+$0x10E00]  }
0x97: {  	v36 =	vmul.f32 v36, v29;
	v39 =	vld [tilespmem:s16+$0x14E00]  }
0x98: {  	v32 =	vadd.f32 v34, v32;
	v30 =	vadd.f32 v30, v31;
	v29 =	vmul.f32 v37, v29;
	v31 =	vld [tilespmem:s16+$0x11000]  }
0x99: {  	v33 =	vmul.f32 v33, v28;
	v34 =	vld [tilespmem:s16+$0x15000]  }
0x9a: {  	v32 =	vadd.f32 v36, v32;
	v29 =	vadd.f32 v29, v30;
	v28 =	vmul.f32 v38, v28;
	v30 =	vld [tilespmem:s16+$0x11200]  }
0x9b: {  	v35 =	vmul.f32 v35, v27;
	v36 =	vld [tilespmem:s16+$0x15200]  }
0x9c: {  	v32 =	vadd.f32 v33, v32;
	v28 =	vadd.f32 v28, v29;
	v27 =	vmul.f32 v39, v27;
	v29 =	vld [tilespmem:s16+$0x11400]  }
0x9d: {  	v31 =	vmul.f32 v31, v26;
	v33 =	vld [tilespmem:s16+$0x15400]  }
0x9e: {  	v32 =	vadd.f32 v35, v32;
	v27 =	vadd.f32 v27, v28;
	v26 =	vmul.f32 v34, v26;
	v28 =	vld [tilespmem:s16+$0x11600]  }
0x9f: {  	v30 =	vmul.f32 v30, v25;
	v34 =	vld [tilespmem:s16+$0x15600]  }
0xa0: {  	v31 =	vadd.f32 v31, v32;
	v26 =	vadd.f32 v26, v27;
	v25 =	vmul.f32 v36, v25;
	v27 =	vld [tilespmem:s16+$0x11800]  }
0xa1: {  	v29 =	vmul.f32 v29, v24;
	v32 =	vld [tilespmem:s16+$0x15800]  }
0xa2: {  	v30 =	vadd.f32 v30, v31;
	v25 =	vadd.f32 v25, v26;
	v24 =	vmul.f32 v33, v24;
	v26 =	vld [tilespmem:s16+$0x11A00]  }
0xa3: {  	v28 =	vmul.f32 v28, v23;
	v31 =	vld [tilespmem:s16+$0x15A00]  }
0xa4: {  	v29 =	vadd.f32 v29, v30;
	v24 =	vadd.f32 v24, v25;
	v23 =	vmul.f32 v34, v23;
	v25 =	vld [tilespmem:s16+$0x11C00]  }
0xa5: {  	v27 =	vmul.f32 v27, v22;
	v30 =	vld [tilespmem:s16+$0x15C00]  }
0xa6: {  	v28 =	vadd.f32 v28, v29;
	v23 =	vadd.f32 v23, v24;
	v22 =	vmul.f32 v32, v22;
	v24 =	vld [tilespmem:s16+$0x11E00]  }
0xa7: {  	v26 =	vmul.f32 v26, v21;
	v29 =	vld [tilespmem:s16+$0x15E00]  }
0xa8: {  	v27 =	vadd.f32 v27, v28;
	v22 =	vadd.f32 v22, v23;
	v21 =	vmul.f32 v31, v21;
	v23 =	vld [tilespmem:s16+$0x12000]  }
0xa9: {  	v25 =	vmul.f32 v25, v20;
	v28 =	vld [tilespmem:s16+$0x16000]  }
0xaa: {  	v26 =	vadd.f32 v26, v27;
	v21 =	vadd.f32 v21, v22;
	v20 =	vmul.f32 v30, v20;
	v22 =	vld [tilespmem:s16+$0x12200]  }
0xab: {  	v24 =	vmul.f32 v24, v19;
	v27 =	vld [tilespmem:s16+$0x16200]  }
0xac: {  	v25 =	vadd.f32 v25, v26;
	v20 =	vadd.f32 v20, v21;
	v19 =	vmul.f32 v29, v19;
	v21 =	vld [tilespmem:s16+$0x12400]  }
0xad: {  	v23 =	vmul.f32 v23, v18;
	v26 =	vld [tilespmem:s16+$0x16400]  }
0xae: {  	v24 =	vadd.f32 v24, v25;
	v19 =	vadd.f32 v19, v20;
	v18 =	vmul.f32 v28, v18;
	v20 =	vld [tilespmem:s16+$0x12600]  }
0xaf: {  	v22 =	vmul.f32 v22, v17;
	v25 =	vld [tilespmem:s16+$0x16600]  }
0xb0: {  	v23 =	vadd.f32 v23, v24;
	v18 =	vadd.f32 v18, v19;
	v17 =	vmul.f32 v27, v17;
	v19 =	vld [tilespmem:s16+$0x12800]  }
0xb1: {  	v21 =	vmul.f32 v21, v16;
	v24 =	vld [tilespmem:s16+$0x16800]  }
0xb2: {  	v22 =	vadd.f32 v22, v23;
	v17 =	vadd.f32 v17, v18;
	v16 =	vmul.f32 v26, v16;
	v18 =	vld [tilespmem:s16+$0x12A00]  }
0xb3: {  	v20 =	vmul.f32 v20, v15;
	v23 =	vld [tilespmem:s16+$0x16A00]  }
0xb4: {  	v21 =	vadd.f32 v21, v22;
	v16 =	vadd.f32 v16, v17;
	v15 =	vmul.f32 v25, v15;
	v17 =	vld [tilespmem:s16+$0x12C00]  }
0xb5: {  	v19 =	vmul.f32 v19, v14;
	v22 =	vld [tilespmem:s16+$0x16C00]  }
0xb6: {  	v20 =	vadd.f32 v20, v21;
	v15 =	vadd.f32 v15, v16;
	v14 =	vmul.f32 v24, v14;
	v16 =	vld [tilespmem:s16+$0x12E00]  }
0xb7: {  	v18 =	vmul.f32 v18, v13;
	v21 =	vld [tilespmem:s16+$0x16E00]  }
0xb8: {  	v19 =	vadd.f32 v19, v20;
	v14 =	vadd.f32 v14, v15;
	v13 =	vmul.f32 v23, v13;
	v15 =	vld [tilespmem:s16+$0x13000]  }
0xb9: {  	v17 =	vmul.f32 v17, v12;
	v20 =	vld [tilespmem:s16+$0x17000]  }
0xba: {  	v18 =	vadd.f32 v18, v19;
	v13 =	vadd.f32 v13, v14;
	v12 =	vmul.f32 v22, v12;
	v14 =	vld [tilespmem:s16+$0x13200]  }
0xbb: {  	v16 =	vmul.f32 v16, v11;
	v19 =	vld [tilespmem:s16+$0x17200]  }
0xbc: {  	v17 =	vadd.f32 v17, v18;
	v12 =	vadd.f32 v12, v13;
	v11 =	vmul.f32 v21, v11;
	v13 =	vld [tilespmem:s16+$0x13400]  }
0xbd: {  	v15 =	vmul.f32 v15, v10;
	v18 =	vld [tilespmem:s16+$0x17400]  }
0xbe: {  	v16 =	vadd.f32 v16, v17;
	v11 =	vadd.f32 v11, v12;
	v10 =	vmul.f32 v20, v10;
	v12 =	vld [tilespmem:s16+$0x13600]  }
0xbf: {  	v14 =	vmul.f32 v14, v9;
	v17 =	vld [tilespmem:s16+$0x17600]  }
0xc0: {  	v15 =	vadd.f32 v15, v16;
	v10 =	vadd.f32 v10, v11;
	v9 =	vmul.f32 v19, v9;
	v11 =	vld [tilespmem:s16+$0x13800]  }
0xc1: {  	v13 =	vmul.f32 v13, v8;
	v16 =	vld [tilespmem:s16+$0x17800]  }
0xc2: {  	v14 =	vadd.f32 v14, v15;
	v9 =	vadd.f32 v9, v10;
	v8 =	vmul.f32 v18, v8;
	v10 =	vld [tilespmem:s16+$0x13A00]  }
0xc3: {  	v12 =	vmul.f32 v12, v7;
	v15 =	vld [tilespmem:s16+$0x17A00]  }
0xc4: {  	v13 =	vadd.f32 v13, v14;
	v8 =	vadd.f32 v8, v9;
	v7 =	vmul.f32 v17, v7;
	v9 =	vld [tilespmem:s16+$0x13C00]  }
0xc5: {  	v11 =	vmul.f32 v11, v6;
	v14 =	vld [tilespmem:s16+$0x17C00]  }
0xc6: {  	v12 =	vadd.f32 v12, v13;
	v7 =	vadd.f32 v7, v8;
	v6 =	vmul.f32 v16, v6;
	v8 =	vld [tilespmem:s16+$0x13E00]  }
0xc7: {  	v10 =	vmul.f32 v10, v5;
	v13 =	vld [tilespmem:s16+$0x17E00]  }
0xc8: {  	v11 =	vadd.f32 v11, v12;
	v6 =	vadd.f32 v6, v7;
	v5 =	vmul.f32 v15, v5;
	v7 =	vld [tilespmem:s16+$0x14000]  }
0xc9: {  	v9 =	vmul.f32 v9, v4;
	v12 =	vld [tilespmem:s16+$0x18000]  }
0xca: {  	v10 =	vadd.f32 v10, v11;
	v5 =	vadd.f32 v5, v6;
	v4 =	vmul.f32 v14, v4;
	v6 =	vld [tilespmem:s16+$0x14200]  }
0xcb: {  	v8 =	vmul.f32 v8, v3;
	v11 =	vld [tilespmem:s16+$0x18200]  }
0xcc: {  	v9 =	vadd.f32 v9, v10;
	v4 =	vadd.f32 v4, v5;
	v3 =	vmul.f32 v13, v3;
	v5 =	vld [tilespmem:s16+$0x14400]  }
0xcd: {  	s18 =	sshra.s32 s17, $0x2;
	v7 =	vmul.f32 v7, v1;
	v10 =	vld [tilespmem:s16+$0x18400]  }
0xce: {  	v8 =	vadd.f32 v8, v9;
	v13 =	vld [tilespmem:s18+$0x10400];
	v3 =	vadd.f32 v3, v4;
	v4 =	vmul.f32 v12, v1  }
0xcf: {  	v9 =	vld [tilespmem:s18+$0x10200];
	v6 =	vmul.f32 v6, v2  }
0xd0: {  	v7 =	vadd.f32 v7, v8;
	v1 =	vld [tilespmem:s18+$0x10000];
	v8 =	vadd.f32 v4, v3;
	v2 =	vmul.f32 v11, v2  }
0xd1: {  	v3 =	vld [tilespmem:s18+$0xFE00];
	v11 =	vmul.f32 v5, v0  }
0xd2: {  	v7 =	vadd.f32 v6, v7;
	v4 =	vld [tilespmem:s18+$0xFC00];
	v12 =	vadd.f32 v2, v8;
	v8 =	vmul.f32 v10, v0  }
0xd3: {  	v5 =	vld [tilespmem:s18+$0xFA00];
	v0 =	vmov v13  }
0xd4: {  	v10 =	vadd.f32 v11, v7;
	v6 =	vld [tilespmem:s18+$0xF800];
	v11 =	vadd.f32 v8, v12;
	v2 =	vmov v9  }
0xd5: {  	v7 =	vld [tilespmem:s18+$0xF600]  }
0xd6: {  	v8 =	vld [tilespmem:s18+$0xF400];
	v11 =	vsub.f32 v10, v11  }
0xd7: {  	v9 =	vld [tilespmem:s18+$0xF200]  }
0xd8: {  	v10 =	vld [tilespmem:s18+$0xF000];
	[tilespmem:s16+$0x18600] =	vst v11;
	s16 =	smov.u32 s18  }
0xd9: {  	v11 =	vld [tilespmem:s16+$0xEE00]  }
0xda: {  	v12 =	vld [tilespmem:s16+$0xEC00]  }
0xdb: {  	v13 =	vld [tilespmem:s16+$0xEA00]  }
0xdc: {  	v14 =	vld [tilespmem:s16+$0xE800]  }
0xdd: {  	v15 =	vld [tilespmem:s16+$0xE600]  }
0xde: {  	v16 =	vld [tilespmem:s16+$0xE400]  }
0xdf: {  	v17 =	vld [tilespmem:s16+$0xE200]  }
0xe0: {  	v18 =	vld [tilespmem:s16+$0xE000]  }
0xe1: {  	v19 =	vld [tilespmem:s16+$0xDE00]  }
0xe2: {  	v20 =	vld [tilespmem:s16+$0xDC00]  }
0xe3: {  	v21 =	vld [tilespmem:s16+$0xDA00]  }
0xe4: {  	v22 =	vld [tilespmem:s16+$0xD800]  }
0xe5: {  	v23 =	vld [tilespmem:s16+$0xD600]  }
0xe6: {  	v24 =	vld [tilespmem:s16+$0xD400]  }
0xe7: {  	v25 =	vld [tilespmem:s16+$0xD200]  }
0xe8: {  	v26 =	vld [tilespmem:s16+$0xD000]  }
0xe9: {  	v27 =	vld [tilespmem:s16+$0xCE00]  }
.Ltmp3:
0xea: {  	v28 =	vld [tilespmem:s16+$0xCC00];
	(pc) =	sbr.rel @p0 .LBB2_8-.Ltmp3, $4  }
0xeb: {  	v29 =	vld [tilespmem:s16+$0xCA00]  }
0xec: {  	v30 =	vld [tilespmem:s16+$0xC800]  }
0xed: {  	v31 =	vld [tilespmem:s16+$0xC600]  }
0xee: {  	s17 =	sadd.s32 $0x40, s17;
	v32 =	vld [tilespmem:s16+$0x10600]  }
0xef: {  	v33 =	vld [tilespmem:s16+$0x14600]  }
0xf0: {  	v34 =	vld [tilespmem:s16+$0x10800]  }
0xf1: {  	v35 =	vld [tilespmem:s16+$0x14800]  }
0xf2: {  	v36 =	vld [tilespmem:s16+$0x10A00]  }
0xf3: {  	v37 =	vld [tilespmem:s16+$0x14A00]  }
0xf4: {  	v44 =	vld [tilespmem:s16+$0x10C00];
	v32 =	vmul.f32 v32, v31;
	v43 =	vmul.f32 v33, v31  }
0xf5: {  	v38 =	vld [tilespmem:s16+$0x14C00];
	v34 =	vmul.f32 v34, v30  }
0xf6: {  	v46 =	vld [tilespmem:s16+$0x10E00];
	v45 =	vmul.f32 v35, v30;
	v32 =	vadd.f32 $0.0e+00, v32;
	v31 =	vadd.f32 $0.0e+00, v43  }
0xf7: {  	v39 =	vld [tilespmem:s16+$0x14E00];
	v36 =	vmul.f32 v36, v29  }
0xf8: {  	v49 =	vld [tilespmem:s16+$0x15000];
	v47 =	vmul.f32 v37, v29;
	v32 =	vadd.f32 v34, v32;
	v30 =	vadd.f32 v45, v31  }
0xf9: {  	v48 =	vld [tilespmem:s16+$0x11000];
	v33 =	vmul.f32 v44, v28  }
0xfa: {  	v52 =	vld [tilespmem:s16+$0x15200];
	v50 =	vmul.f32 v38, v28;
	v32 =	vadd.f32 v36, v32;
	v29 =	vadd.f32 v47, v30  }
0xfb: {  	v51 =	vld [tilespmem:s16+$0x11200];
	v35 =	vmul.f32 v46, v27  }
0xfc: {  	v55 =	vld [tilespmem:s16+$0x15400];
	v53 =	vmul.f32 v39, v27;
	v32 =	vadd.f32 v33, v32;
	v28 =	vadd.f32 v50, v29  }
0xfd: {  	v54 =	vld [tilespmem:s16+$0x11400];
	v56 =	vmul.f32 v49, v26  }
0xfe: {  	v58 =	vld [tilespmem:s16+$0x15600];
	v31 =	vmul.f32 v48, v26;
	v32 =	vadd.f32 v35, v32;
	v27 =	vadd.f32 v53, v28  }
0xff: {  	v57 =	vld [tilespmem:s16+$0x11600];
	v59 =	vmul.f32 v52, v25  }
0x100: {  	v61 =	vld [tilespmem:s16+$0x15800];
	v30 =	vmul.f32 v51, v25;
	v31 =	vadd.f32 v31, v32;
	v26 =	vadd.f32 v56, v27  }
0x101: {  	v60 =	vld [tilespmem:s16+$0x11800];
	v62 =	vmul.f32 v55, v24  }
0x102: {  	v33 =	vld [tilespmem:s16+$0x15A00];
	v29 =	vmul.f32 v54, v24;
	v30 =	vadd.f32 v30, v31;
	v25 =	vadd.f32 v59, v26  }
0x103: {  	v63 =	vld [tilespmem:s16+$0x11A00];
	v34 =	vmul.f32 v58, v23  }
0x104: {  	v36 =	vld [tilespmem:s16+$0x15C00];
	v28 =	vmul.f32 v57, v23;
	v29 =	vadd.f32 v29, v30;
	v24 =	vadd.f32 v62, v25  }
0x105: {  	v37 =	vmul.f32 v61, v22;
	v35 =	vld [tilespmem:s16+$0x11C00]  }
0x106: {  	v39 =	vld [tilespmem:s16+$0x15E00];
	v27 =	vmul.f32 v60, v22;
	v28 =	vadd.f32 v28, v29;
	v23 =	vadd.f32 v34, v24  }
0x107: {  	v38 =	vld [tilespmem:s16+$0x11E00];
	v40 =	vmul.f32 v33, v21  }
0x108: {  	v42 =	vld [tilespmem:s16+$0x16000];
	v26 =	vmul.f32 v63, v21;
	v27 =	vadd.f32 v27, v28;
	v22 =	vadd.f32 v37, v23  }
0x109: {  	v41 =	vld [tilespmem:s16+$0x12000];
	v43 =	vmul.f32 v36, v20  }
0x10a: {  	v45 =	vld [tilespmem:s16+$0x16200];
	v25 =	vmul.f32 v35, v20;
	v26 =	vadd.f32 v26, v27;
	v21 =	vadd.f32 v40, v22  }
0x10b: {  	v44 =	vld [tilespmem:s16+$0x12200];
	v46 =	vmul.f32 v39, v19  }
0x10c: {  	v48 =	vld [tilespmem:s16+$0x16400];
	v24 =	vmul.f32 v38, v19;
	v25 =	vadd.f32 v25, v26;
	v20 =	vadd.f32 v43, v21  }
0x10d: {  	v49 =	vmul.f32 v42, v18;
	v47 =	vld [tilespmem:s16+$0x12400]  }
0x10e: {  	v51 =	vld [tilespmem:s16+$0x16600];
	v23 =	vmul.f32 v41, v18;
	v24 =	vadd.f32 v24, v25;
	v19 =	vadd.f32 v46, v20  }
0x10f: {  	v50 =	vld [tilespmem:s16+$0x12600];
	v52 =	vmul.f32 v45, v17  }
0x110: {  	v54 =	vld [tilespmem:s16+$0x16800];
	v22 =	vmul.f32 v44, v17;
	v23 =	vadd.f32 v23, v24;
	v18 =	vadd.f32 v49, v19  }
0x111: {  	v55 =	vmul.f32 v48, v16;
	v53 =	vld [tilespmem:s16+$0x12800]  }
0x112: {  	v57 =	vld [tilespmem:s16+$0x16A00];
	v21 =	vmul.f32 v47, v16;
	v22 =	vadd.f32 v22, v23;
	v17 =	vadd.f32 v52, v18  }
0x113: {  	v58 =	vmul.f32 v51, v15;
	v56 =	vld [tilespmem:s16+$0x12A00]  }
0x114: {  	v60 =	vld [tilespmem:s16+$0x16C00];
	v20 =	vmul.f32 v50, v15;
	v21 =	vadd.f32 v21, v22;
	v16 =	vadd.f32 v55, v17  }
0x115: {  	v61 =	vmul.f32 v54, v14;
	v59 =	vld [tilespmem:s16+$0x12C00]  }
0x116: {  	v63 =	vld [tilespmem:s16+$0x16E00];
	v19 =	vmul.f32 v53, v14;
	v20 =	vadd.f32 v20, v21;
	v15 =	vadd.f32 v58, v16  }
0x117: {  	v62 =	vld [tilespmem:s16+$0x12E00];
	v24 =	vmul.f32 v57, v13  }
0x118: {  	v26 =	vld [tilespmem:s16+$0x17000];
	v18 =	vmul.f32 v56, v13;
	v19 =	vadd.f32 v19, v20;
	v14 =	vadd.f32 v61, v15  }
0x119: {  	v27 =	vmul.f32 v60, v12;
	v25 =	vld [tilespmem:s16+$0x13000]  }
0x11a: {  	v29 =	vld [tilespmem:s16+$0x17200];
	v17 =	vmul.f32 v59, v12;
	v18 =	vadd.f32 v18, v19;
	v13 =	vadd.f32 v24, v14  }
0x11b: {  	v28 =	vld [tilespmem:s16+$0x13200];
	v30 =	vmul.f32 v63, v11  }
0x11c: {  	v32 =	vld [tilespmem:s16+$0x17400];
	v16 =	vmul.f32 v62, v11;
	v17 =	vadd.f32 v17, v18;
	v12 =	vadd.f32 v27, v13  }
0x11d: {  	v31 =	vld [tilespmem:s16+$0x13400];
	v33 =	vmul.f32 v26, v10  }
0x11e: {  	v35 =	vld [tilespmem:s16+$0x17600];
	v15 =	vmul.f32 v25, v10;
	v16 =	vadd.f32 v16, v17;
	v11 =	vadd.f32 v30, v12  }
0x11f: {  	v34 =	vld [tilespmem:s16+$0x13600];
	v36 =	vmul.f32 v29, v9  }
0x120: {  	v38 =	vld [tilespmem:s16+$0x17800];
	v14 =	vmul.f32 v28, v9;
	v15 =	vadd.f32 v15, v16;
	v10 =	vadd.f32 v33, v11  }
0x121: {  	v39 =	vmul.f32 v32, v8;
	v37 =	vld [tilespmem:s16+$0x13800]  }
0x122: {  	v41 =	vld [tilespmem:s16+$0x17A00];
	v13 =	vmul.f32 v31, v8;
	v14 =	vadd.f32 v14, v15;
	v9 =	vadd.f32 v36, v10  }
0x123: {  	v42 =	vmul.f32 v35, v7;
	v40 =	vld [tilespmem:s16+$0x13A00]  }
0x124: {  	v44 =	vld [tilespmem:s16+$0x17C00];
	v12 =	vmul.f32 v34, v7;
	v13 =	vadd.f32 v13, v14;
	v8 =	vadd.f32 v39, v9  }
0x125: {  	v45 =	vmul.f32 v38, v6;
	v43 =	vld [tilespmem:s16+$0x13C00]  }
0x126: {  	v47 =	vld [tilespmem:s16+$0x17E00];
	v11 =	vmul.f32 v37, v6;
	v12 =	vadd.f32 v12, v13;
	v7 =	vadd.f32 v42, v8  }
0x127: {  	v48 =	vmul.f32 v41, v5;
	v46 =	vld [tilespmem:s16+$0x13E00]  }
0x128: {  	v50 =	vld [tilespmem:s16+$0x18000];
	v10 =	vmul.f32 v40, v5;
	v11 =	vadd.f32 v11, v12;
	v6 =	vadd.f32 v45, v7  }
0x129: {  	v51 =	vmul.f32 v44, v4;
	v49 =	vld [tilespmem:s16+$0x14000]  }
0x12a: {  	v53 =	vld [tilespmem:s16+$0x18200];
	v9 =	vmul.f32 v43, v4;
	v10 =	vadd.f32 v10, v11;
	v5 =	vadd.f32 v48, v6  }
0x12b: {  	v54 =	vmul.f32 v47, v3;
	v52 =	vld [tilespmem:s16+$0x14200]  }
0x12c: {  	v56 =	vld [tilespmem:s16+$0x18400];
	v8 =	vmul.f32 v46, v3;
	v9 =	vadd.f32 v9, v10;
	v4 =	vadd.f32 v51, v5  }
0x12d: {  	v57 =	vmul.f32 v50, v1;
	v55 =	vld [tilespmem:s16+$0x14400]  }
0x12e: {  	v7 =	vmul.f32 v49, v1;
	v8 =	vadd.f32 v8, v9;
	v3 =	vadd.f32 v54, v4  }
0x12f: {  	v60 =	vmul.f32 v53, v2  }
0x130: {  	v58 =	vmul.f32 v52, v2;
	v59 =	vadd.f32 v7, v8;
	v1 =	vadd.f32 v57, v3  }
0x131: {  	v62 =	vmul.f32 v56, v0  }
0x132: {  	v61 =	vmul.f32 v55, v0;
	v4 =	vadd.f32 v58, v59;
	v1 =	vadd.f32 v60, v1;
	_ =	sdelay $0x1  }
0x133: {  	v63 =	vadd.f32 v61, v4;
	v0 =	vadd.f32 v62, v1;
	_ =	sdelay $0x1  }
0x134: {  	s15 =	sadd.s32 $0x1, s15;
	v0 =	vsub.f32 v63, v0  }
0x135: {  	p0 =	sne.s32 s15, s9  }
.Ltmp4:
0x136: {  	[tilespmem:s16+$0x18600] =	vst v0;
	(pc) =	sbr.rel @p0 .LBB2_1-.Ltmp4, $4  }
0x137: {  	[hbm4b:s8+s2] =	stream.linear.scatter [tilespmem:s14], [sflag:$0x2], $0x200, $0x38;
	[tilespmem:$0x18800] =	vst v63  }
0x138: {  	_ =	swait.ge [sflag:s10], $0x200  }
0x139: {  	[sflag:s10] =	ssyncset.done $0x0  }
0x13a: {  	[sflag:s10] =	ssyncadd.s32 $0xFFFFFE00  }
0x13b: {  	_ =	sfence.sel $0x180000  }
0x13c: {  	[bflag:$0x0] =	sbarrier.arrive $0xFFFF  }
0x13d: {  	p0 =	sne.s32 s1, $0x0;
	_ =	strace $0x90000047  }
0x13e: {  	s0 =	sadd.s32 @!p0 $0x100000, s0;
	[bflag:$0x2] =	sbarrier.arrive $0xFFFF  }
0x13f: {  	[sflag:s0] =	ssyncadd.tile.s32 @!p0 $0x1;
	_ =	shalt  }
.Lfunc_end2:
_tile_overlayer_lowered:
.L_overlay_start_2:
0x140: {  	(tag) =	ssettag $0x2  }
0x141: {  	s0 =	rddreg [dreg:$0x0];
	s2 =	stileid.u32  }
0x142: {  	s1 =	rddreg [dreg:$0x1];
	p0 =	sne.s32 s2, $0x0  }
0x143: {  	s3 =	rddreg [dreg:$0x2];
	[bflag:$0x3] =	sbarrier.arrive $0xFFFF;
	s2 =	simm.s32 @!p0 $0x1C02  }
0x144: {  	[timem:s3], [sflag:s2] =	dma.local @!p0 [hbm:s0], s1  }
0x145: {  	s0 =	simm.s32 @!p0 $0x2  }
0x146: {  	_ =	swait.ge @!p0 [sflag:s0], s1  }
0x147: {  	s1 =	ssub.s32 @!p0 $0x0, s1;
	[sflag:s0] =	ssyncset.done @!p0 $0x0  }
0x148: {  	[sflag:s0] =	ssyncadd.s32 @!p0 s1  }
0x149: {  	[bflag:$0x3] =	sbarrier.arrive $0xFFFF  }
0x14a: {  	_ =	shalt  }

</sc_bundles>
